<compile_context>
chip_gen: v7x
topology: tpu7x:2x2x1
jax: 0.10.2.dev20260603
libtpu: 0.0.44.dev20260713+nightly
codegen_flags: <defaults>
</compile_context>

<pallas_src>
import jax
import jax.numpy as jnp
from jax import lax
from jax.experimental import pallas as pl
from jax.experimental.pallas import tpu as pltpu
from jax.experimental.pallas import tpu_sc as plsc

N = 10000
E = 320000
D = 128

FS = 8
W = 8
ES = 4
EPW = E // ES
CHUNK = 8000
NCH = EPW // CHUNK
L = 16


def _sc_body(hg_hbm, ei_hbm, part_hbm, hs, src_v, dst_v, out_v):
    c = lax.axis_index("c")
    s = lax.axis_index("s")
    fg = s % FS
    eg = c * 2 + s // FS
    pltpu.sync_copy(hg_hbm.at[fg], hs)

    def chunk_body(k, _):
        ch = eg * NCH + k
        off = pl.multiple_of(ch * CHUNK, CHUNK)
        pltpu.sync_copy(ei_hbm.at[pl.ds(off, CHUNK)], src_v)
        pltpu.sync_copy(ei_hbm.at[pl.ds(E + off, CHUNK)], dst_v)

        @plsc.parallel_loop(0, CHUNK // L, unroll=4)
        def grp(i):
            b = pl.multiple_of(i * L, L)
            si = src_v[pl.ds(b, L)]
            di = dst_v[pl.ds(b, L)]
            acc = jnp.zeros((L,), jnp.float32)
            for j in range(W):
                wa = plsc.load_gather(hs, [si + j * N])
                wb = plsc.load_gather(hs, [di + j * N])
                a2 = plsc.bitcast(wa, jnp.bfloat16)
                b2 = plsc.bitcast(wb, jnp.bfloat16)
                p = a2 * b2
                pa, pb = plsc.unpack(
                    p,
                    format=plsc.PackFormat.INTERLEAVED,
                    preferred_element_type=jnp.float32,
                )
                acc = acc + pa + pb
            out_v[pl.ds(b, L)] = acc

        pltpu.sync_copy(out_v, part_hbm.at[fg, ch])
        return 0

    lax.fori_loop(0, NCH, chunk_body, 0)


def _sc_partials(h_grouped, edge_index):
    mesh = plsc.VectorSubcoreMesh(core_axis_name="c", subcore_axis_name="s")
    k = pl.kernel(
        _sc_body,
        out_type=jax.ShapeDtypeStruct((FS, ES * NCH, CHUNK), jnp.float32),
        mesh=mesh,
        compiler_params=pltpu.CompilerParams(needs_layout_passes=False),
        scratch_types=[
            pltpu.VMEM((N * W,), jnp.int32),
            pltpu.VMEM((CHUNK,), jnp.int32),
            pltpu.VMEM((CHUNK,), jnp.int32),
            pltpu.VMEM((CHUNK,), jnp.float32),
        ],
    )
    return k(h_grouped, edge_index)


def _tc_reduce_body(p_ref, o_ref):
    o_ref[...] = jnp.sum(p_ref[...], axis=0, keepdims=True)


def _tc_reduce(partial2d):
    tcb = 6400
    return pl.pallas_call(
        _tc_reduce_body,
        grid=(E // tcb,),
        in_specs=[pl.BlockSpec((FS, tcb), lambda i: (0, i))],
        out_specs=pl.BlockSpec((1, tcb), lambda i: (0, i)),
        out_shape=jax.ShapeDtypeStruct((1, E), jnp.float32),
    )(partial2d)


@jax.jit
def kernel(h, edge_index, e):
    del e
    hb = h.astype(jnp.bfloat16)
    packed = lax.bitcast_convert_type(hb.reshape(N, D // 2, 2), jnp.int32)
    h_grouped = packed.T.reshape(FS, W * N)
    partial = _sc_partials(h_grouped, edge_index.reshape(2 * E))
    score = _tc_reduce(partial.reshape(FS, E))
    return score.reshape(E, 1)

# --- scband reference (transcript-rebuilt; emitter-appended) ---
"""Pipeline reference for scband-dot-product-predictor-68066641707579 (READ-ONLY COPY).

The authoritative reference and input builder live on the scoring server;
editing this copy changes nothing except your own understanding.
"""

import jax, jax.numpy as jnp
import numpy as np


def setup_inputs(seed: int = 0) -> dict:
    key = jax.random.key(seed)
    k1, k2, k3 = jax.random.split(key, 3)
    N, E, D, DE = 10000, 320000, 128, 16
    h = jax.random.normal(k1, (N, D), dtype=jnp.float32)
    edge_index = jax.random.randint(k2, (2, E), 0, N, dtype=jnp.int32)
    e = jax.random.normal(k3, (E, DE), dtype=jnp.float32)
    return {"h": h, "edge_index": edge_index, "e": e}


def reference(h, edge_index, e):
    # DGL: graph.apply_edges(fn.u_dot_v('h', 'h', 'score'))
    # For each edge (u, v): score_e = sum_d h[u, d] * h[v, d], shape [E, 1]
    src = edge_index[0]
    dst = edge_index[1]
    h_u = jnp.take(h, src, axis=0)
    h_v = jnp.take(h, dst, axis=0)
    score = jnp.sum(h_u * h_v, axis=-1, keepdims=True)
    return score

if __name__ == "__main__":
    import jax
    _d = setup_inputs()
    print(jax.jit(kernel)(*tuple(_d.values())))

</pallas_src>

<mosaic_0001>
#map = affine_map<(d0, d1) -> (0, 0)>
#map1 = affine_map<(d0, d1) -> (0)>
#map2 = affine_map<(d0, d1) -> (0, 0, 0)>
module attributes {stable_mosaic.version = 14 : i64} {
  func.func @_sc_body(%arg0: i32, %arg1: i32, %arg2: memref<8x80000xi32, #tpu.memory_space<hbm>>, %arg3: memref<640000xi32, #tpu.memory_space<hbm>>, %arg4: memref<8x40x8000xf32, #tpu.memory_space<hbm>>, %arg5: memref<80000xi32, #tpu.memory_space<vmem>>, %arg6: memref<8000xi32, #tpu.memory_space<vmem>>, %arg7: memref<8000xi32, #tpu.memory_space<vmem>>, %arg8: memref<8000xf32, #tpu.memory_space<vmem>>) attributes {dimension_semantics = [#tpu.dimension_semantics<core_parallel>, #tpu.dimension_semantics<subcore_parallel>], iteration_bounds = array<i64: 2, 16>, scalar_prefetch = 0 : i64, scratch_operands = 4 : i64, tpu.core_type = #tpu.core_type<sc_vector_subcore>, window_params = [{transform_indices = #map}, {transform_indices = #map1}, {transform_indices = #map2}]} {
    %jit3A = arith.constant 8 : i32
    %eq3A = arith.constant 0 : i32
    %eq3A_0 = arith.cmpi eq, %jit3A, %eq3A : i32
    %jit3A_1 = arith.constant 1 : i32
    %select_n3A = arith.select %eq3A_0, %jit3A_1, %jit3A : i32
    %rem3A = arith.remsi %arg1, %select_n3A : i32
    %ne3A = arith.constant 0 : i32
    %ne3A_2 = arith.cmpi ne, %rem3A, %ne3A : i32
    %lt3A = arith.constant 0 : i32
    %lt3A_3 = arith.cmpi slt, %rem3A, %lt3A : i32
    %lt3A_4 = arith.constant 0 : i32
    %lt3A_5 = arith.cmpi slt, %select_n3A, %lt3A_4 : i32
    %ne3A_6 = arith.xori %lt3A_3, %lt3A_5 : i1
    %and3A = arith.andi %ne3A_6, %ne3A_2 : i1
    %add3A = arith.addi %rem3A, %select_n3A : i32
    %select_n3A_7 = arith.select %and3A, %add3A, %rem3A : i32
    %mul3A = arith.constant 2 : i32
    %mul3A_8 = arith.muli %arg0, %mul3A : i32
    %jit3A_9 = arith.constant 8 : i32
    %div3A = arith.divsi %arg1, %jit3A_9 : i32
    %sign3A = arith.constant 0 : i32
    %sign3A_10 = arith.cmpi sgt, %arg1, %sign3A : i32
    %sign3A_11 = arith.extui %sign3A_10 : i1 to i32
    %sign3A_12 = arith.constant 0 : i32
    %sign3A_13 = arith.cmpi slt, %arg1, %sign3A_12 : i32
    %sign3A_14 = arith.extui %sign3A_13 : i1 to i32
    %sign3A_15 = arith.subi %sign3A_11, %sign3A_14 : i32
    %sign3A_16 = arith.constant 0 : i32
    %sign3A_17 = arith.cmpi sgt, %jit3A_9, %sign3A_16 : i32
    %sign3A_18 = arith.extui %sign3A_17 : i1 to i32
    %sign3A_19 = arith.constant 0 : i32
    %sign3A_20 = arith.cmpi slt, %jit3A_9, %sign3A_19 : i32
    %sign3A_21 = arith.extui %sign3A_20 : i1 to i32
    %sign3A_22 = arith.subi %sign3A_18, %sign3A_21 : i32
    %ne3A_23 = arith.cmpi ne, %sign3A_15, %sign3A_22 : i32
    %rem3A_24 = arith.remsi %arg1, %jit3A_9 : i32
    %ne3A_25 = arith.constant 0 : i32
    %ne3A_26 = arith.cmpi ne, %rem3A_24, %ne3A_25 : i32
    %and3A_27 = arith.andi %ne3A_23, %ne3A_26 : i1
    %sub3A = arith.constant 1 : i32
    %sub3A_28 = arith.subi %div3A, %sub3A : i32
    %select_n3A_29 = arith.select %and3A_27, %sub3A_28, %div3A : i32
    %add3A_30 = arith.addi %mul3A_8, %select_n3A_29 : i32
    "tpu.region"() ({
      %run_scoped3A = tpu.sem_alloc : memref<!tpu.dma_semaphore, #tpu.memory_space<semaphore_mem>>
      %dma_start3A = arith.constant 0 : i32
      %dma_start3A_37 = tpu.memref_slice %arg2[%select_n3A_7, %dma_start3A] : memref<8x80000xi32, #tpu.memory_space<hbm>> -> memref<1x80000xi32, #tpu.memory_space<hbm>>
      %dma_start3A_38 = tpu.memref_squeeze %dma_start3A_37 : memref<1x80000xi32, #tpu.memory_space<hbm>> -> memref<80000xi32, #tpu.memory_space<hbm>>
      %dma_start3A_39 = arith.constant 0 : i32
      %dma_start3A_40 = tpu.memref_slice %arg2[%select_n3A_7, %dma_start3A_39] : memref<8x80000xi32, #tpu.memory_space<hbm>> -> memref<1x80000xi32, #tpu.memory_space<hbm>>
      %dma_start3A_41 = tpu.memref_squeeze %dma_start3A_40 : memref<1x80000xi32, #tpu.memory_space<hbm>> -> memref<80000xi32, #tpu.memory_space<hbm>>
      tpu.enqueue_dma source(%dma_start3A_41 : memref<80000xi32, #tpu.memory_space<hbm>>) target(%arg5 : memref<80000xi32, #tpu.memory_space<vmem>>) target_semaphore(%run_scoped3A : memref<!tpu.dma_semaphore, #tpu.memory_space<semaphore_mem>>)
      %dma_wait3A = arith.constant 0 : i32
      %dma_wait3A_42 = tpu.memref_slice %arg2[%select_n3A_7, %dma_wait3A] : memref<8x80000xi32, #tpu.memory_space<hbm>> -> memref<1x80000xi32, #tpu.memory_space<hbm>>
      %dma_wait3A_43 = tpu.memref_squeeze %dma_wait3A_42 : memref<1x80000xi32, #tpu.memory_space<hbm>> -> memref<80000xi32, #tpu.memory_space<hbm>>
      %dma_wait3A_44 = arith.constant 0 : i32
      %dma_wait3A_45 = tpu.memref_slice %arg2[%select_n3A_7, %dma_wait3A_44] : memref<8x80000xi32, #tpu.memory_space<hbm>> -> memref<1x80000xi32, #tpu.memory_space<hbm>>
      %dma_wait3A_46 = tpu.memref_squeeze %dma_wait3A_45 : memref<1x80000xi32, #tpu.memory_space<hbm>> -> memref<80000xi32, #tpu.memory_space<hbm>>
      tpu.wait_dma2 semaphore(%run_scoped3A : memref<!tpu.dma_semaphore, #tpu.memory_space<semaphore_mem>>) src(%dma_wait3A_46 : memref<80000xi32, #tpu.memory_space<hbm>>) dst(%arg5 : memref<80000xi32, #tpu.memory_space<vmem>>)
      tpu.yield
    }) : () -> ()
    %scan3A = arith.constant 0 : i32
    %scan3A_31 = arith.constant 0 : i32
    %scan3A_32 = arith.constant 10 : i32
    %scan3A_33 = arith.addi %scan3A_31, %scan3A_32 : i32
    %scan3A_34 = arith.constant 1 : i32
    %scan3A_35 = scf.for %scan3A_37 = %scan3A_31 to %scan3A_33 step %scan3A_34 iter_args(%scan3A_38 = %scan3A) -> (i32)  : i32 {
      %mul3A_39 = arith.constant 10 : i32
      %mul3A_40 = arith.muli %add3A_30, %mul3A_39 : i32
      %add3A_41 = arith.addi %mul3A_40, %scan3A_37 : i32
      %mul3A_42 = arith.constant 8000 : i32
      %mul3A_43 = arith.muli %add3A_41, %mul3A_42 : i32
      %multiple_of3A = tpu.assume_multiple %mul3A_43, 8000 : i32
      "tpu.region"() ({
        %run_scoped3A = tpu.sem_alloc : memref<!tpu.dma_semaphore, #tpu.memory_space<semaphore_mem>>
        %dma_start3A = tpu.memref_slice %arg3[%multiple_of3A] : memref<640000xi32, #tpu.memory_space<hbm>> -> memref<8000xi32, #tpu.memory_space<hbm>>
        %dma_start3A_49 = tpu.memref_slice %arg3[%multiple_of3A] : memref<640000xi32, #tpu.memory_space<hbm>> -> memref<8000xi32, #tpu.memory_space<hbm>>
        tpu.enqueue_dma source(%dma_start3A_49 : memref<8000xi32, #tpu.memory_space<hbm>>) target(%arg6 : memref<8000xi32, #tpu.memory_space<vmem>>) target_semaphore(%run_scoped3A : memref<!tpu.dma_semaphore, #tpu.memory_space<semaphore_mem>>)
        %dma_wait3A = tpu.memref_slice %arg3[%multiple_of3A] : memref<640000xi32, #tpu.memory_space<hbm>> -> memref<8000xi32, #tpu.memory_space<hbm>>
        %dma_wait3A_50 = tpu.memref_slice %arg3[%multiple_of3A] : memref<640000xi32, #tpu.memory_space<hbm>> -> memref<8000xi32, #tpu.memory_space<hbm>>
        tpu.wait_dma2 semaphore(%run_scoped3A : memref<!tpu.dma_semaphore, #tpu.memory_space<semaphore_mem>>) src(%dma_wait3A_50 : memref<8000xi32, #tpu.memory_space<hbm>>) dst(%arg6 : memref<8000xi32, #tpu.memory_space<vmem>>)
        tpu.yield
      }) : () -> ()
      %add3A_44 = arith.constant 320000 : i32
      %add3A_45 = arith.addi %add3A_44, %multiple_of3A : i32
      "tpu.region"() ({
        %run_scoped3A = tpu.sem_alloc : memref<!tpu.dma_semaphore, #tpu.memory_space<semaphore_mem>>
        %dma_start3A = tpu.memref_slice %arg3[%add3A_45] : memref<640000xi32, #tpu.memory_space<hbm>> -> memref<8000xi32, #tpu.memory_space<hbm>>
        %dma_start3A_49 = tpu.memref_slice %arg3[%add3A_45] : memref<640000xi32, #tpu.memory_space<hbm>> -> memref<8000xi32, #tpu.memory_space<hbm>>
        tpu.enqueue_dma source(%dma_start3A_49 : memref<8000xi32, #tpu.memory_space<hbm>>) target(%arg7 : memref<8000xi32, #tpu.memory_space<vmem>>) target_semaphore(%run_scoped3A : memref<!tpu.dma_semaphore, #tpu.memory_space<semaphore_mem>>)
        %dma_wait3A = tpu.memref_slice %arg3[%add3A_45] : memref<640000xi32, #tpu.memory_space<hbm>> -> memref<8000xi32, #tpu.memory_space<hbm>>
        %dma_wait3A_50 = tpu.memref_slice %arg3[%add3A_45] : memref<640000xi32, #tpu.memory_space<hbm>> -> memref<8000xi32, #tpu.memory_space<hbm>>
        tpu.wait_dma2 semaphore(%run_scoped3A : memref<!tpu.dma_semaphore, #tpu.memory_space<semaphore_mem>>) src(%dma_wait3A_50 : memref<8000xi32, #tpu.memory_space<hbm>>) dst(%arg7 : memref<8000xi32, #tpu.memory_space<vmem>>)
        tpu.yield
      }) : () -> ()
      %parallel_loop3A = arith.constant 0 : i32
      %parallel_loop3A_46 = arith.constant 500 : i32
      %parallel_loop3A_47 = arith.constant 1 : i32
      scf.for %parallel_loop3A_49 = %parallel_loop3A to %parallel_loop3A_46 step %parallel_loop3A_47  : i32 {
        %parallel_loop3A_50 = arith.constant 16 : i32
        %parallel_loop3A_51 = arith.muli %parallel_loop3A_49, %parallel_loop3A_50 : i32
        %parallel_loop3A_52 = tpu.assume_multiple %parallel_loop3A_51, 16 : i32
        %parallel_loop3A_53 = arith.index_cast %parallel_loop3A_52 : i32 to index
        %parallel_loop3A_54 = tpu.vector_load %arg6[%parallel_loop3A_53] {strides = array<i32>} : memref<8000xi32, #tpu.memory_space<vmem>>, vector<16xi32>,
        %parallel_loop3A_55 = arith.index_cast %parallel_loop3A_52 : i32 to index
        %parallel_loop3A_56 = tpu.vector_load %arg7[%parallel_loop3A_55] {strides = array<i32>} : memref<8000xi32, #tpu.memory_space<vmem>>, vector<16xi32>,
        %parallel_loop3A_57 = arith.constant 0.000000e+00 : f32
        %parallel_loop3A_58 = vector.broadcast %parallel_loop3A_57 : f32 to vector<16xf32>
        %parallel_loop3A_59 = arith.constant 0 : i32
        %parallel_loop3A_60 = vector.broadcast %parallel_loop3A_59 : i32 to vector<16xi32>
        %parallel_loop3A_61 = arith.addi %parallel_loop3A_54, %parallel_loop3A_60 : vector<16xi32>
        %parallel_loop3A_62 = tpu.vector_load_idx %arg5[%parallel_loop3A_61] : memref<80000xi32, #tpu.memory_space<vmem>>[vector<16xi32>], vector<16xi32>,
        %parallel_loop3A_63 = arith.constant 0 : i32
        %parallel_loop3A_64 = vector.broadcast %parallel_loop3A_63 : i32 to vector<16xi32>
        %parallel_loop3A_65 = arith.addi %parallel_loop3A_56, %parallel_loop3A_64 : vector<16xi32>
        %parallel_loop3A_66 = tpu.vector_load_idx %arg5[%parallel_loop3A_65] : memref<80000xi32, #tpu.memory_space<vmem>>[vector<16xi32>], vector<16xi32>,
        %parallel_loop3A_67 = vector.bitcast %parallel_loop3A_62 : vector<16xi32> to vector<32xbf16>
        %parallel_loop3A_68 = vector.bitcast %parallel_loop3A_66 : vector<16xi32> to vector<32xbf16>
        %parallel_loop3A_69 = arith.mulf %parallel_loop3A_67, %parallel_loop3A_68 : vector<32xbf16>
        %parallel_loop3A_70 = tpu.unpack_subelements %parallel_loop3A_69, 0 {pack_format = #tpu.pack_format<interleaved>} : vector<32xbf16> -> vector<16xf32>
        %parallel_loop3A_71 = tpu.unpack_subelements %parallel_loop3A_69, 1 {pack_format = #tpu.pack_format<interleaved>} : vector<32xbf16> -> vector<16xf32>
        %parallel_loop3A_72 = arith.addf %parallel_loop3A_58, %parallel_loop3A_70 : vector<16xf32>
        %parallel_loop3A_73 = arith.addf %parallel_loop3A_72, %parallel_loop3A_71 : vector<16xf32>
        %parallel_loop3A_74 = arith.constant 10000 : i32
        %parallel_loop3A_75 = vector.broadcast %parallel_loop3A_74 : i32 to vector<16xi32>
        %parallel_loop3A_76 = arith.addi %parallel_loop3A_54, %parallel_loop3A_75 : vector<16xi32>
        %parallel_loop3A_77 = tpu.vector_load_idx %arg5[%parallel_loop3A_76] : memref<80000xi32, #tpu.memory_space<vmem>>[vector<16xi32>], vector<16xi32>,
        %parallel_loop3A_78 = arith.constant 10000 : i32
        %parallel_loop3A_79 = vector.broadcast %parallel_loop3A_78 : i32 to vector<16xi32>
        %parallel_loop3A_80 = arith.addi %parallel_loop3A_56, %parallel_loop3A_79 : vector<16xi32>
        %parallel_loop3A_81 = tpu.vector_load_idx %arg5[%parallel_loop3A_80] : memref<80000xi32, #tpu.memory_space<vmem>>[vector<16xi32>], vector<16xi32>,
        %parallel_loop3A_82 = vector.bitcast %parallel_loop3A_77 : vector<16xi32> to vector<32xbf16>
        %parallel_loop3A_83 = vector.bitcast %parallel_loop3A_81 : vector<16xi32> to vector<32xbf16>
        %parallel_loop3A_84 = arith.mulf %parallel_loop3A_82, %parallel_loop3A_83 : vector<32xbf16>
        %parallel_loop3A_85 = tpu.unpack_subelements %parallel_loop3A_84, 0 {pack_format = #tpu.pack_format<interleaved>} : vector<32xbf16> -> vector<16xf32>
        %parallel_loop3A_86 = tpu.unpack_subelements %parallel_loop3A_84, 1 {pack_format = #tpu.pack_format<interleaved>} : vector<32xbf16> -> vector<16xf32>
        %parallel_loop3A_87 = arith.addf %parallel_loop3A_73, %parallel_loop3A_85 : vector<16xf32>
        %parallel_loop3A_88 = arith.addf %parallel_loop3A_87, %parallel_loop3A_86 : vector<16xf32>
        %parallel_loop3A_89 = arith.constant 20000 : i32
        %parallel_loop3A_90 = vector.broadcast %parallel_loop3A_89 : i32 to vector<16xi32>
        %parallel_loop3A_91 = arith.addi %parallel_loop3A_54, %parallel_loop3A_90 : vector<16xi32>
        %parallel_loop3A_92 = tpu.vector_load_idx %arg5[%parallel_loop3A_91] : memref<80000xi32, #tpu.memory_space<vmem>>[vector<16xi32>], vector<16xi32>,
        %parallel_loop3A_93 = arith.constant 20000 : i32
        %parallel_loop3A_94 = vector.broadcast %parallel_loop3A_93 : i32 to vector<16xi32>
        %parallel_loop3A_95 = arith.addi %parallel_loop3A_56, %parallel_loop3A_94 : vector<16xi32>
        %parallel_loop3A_96 = tpu.vector_load_idx %arg5[%parallel_loop3A_95] : memref<80000xi32, #tpu.memory_space<vmem>>[vector<16xi32>], vector<16xi32>,
        %parallel_loop3A_97 = vector.bitcast %parallel_loop3A_92 : vector<16xi32> to vector<32xbf16>
        %parallel_loop3A_98 = vector.bitcast %parallel_loop3A_96 : vector<16xi32> to vector<32xbf16>
        %parallel_loop3A_99 = arith.mulf %parallel_loop3A_97, %parallel_loop3A_98 : vector<32xbf16>
        %parallel_loop3A_100 = tpu.unpack_subelements %parallel_loop3A_99, 0 {pack_format = #tpu.pack_format<interleaved>} : vector<32xbf16> -> vector<16xf32>
        %parallel_loop3A_101 = tpu.unpack_subelements %parallel_loop3A_99, 1 {pack_format = #tpu.pack_format<interleaved>} : vector<32xbf16> -> vector<16xf32>
        %parallel_loop3A_102 = arith.addf %parallel_loop3A_88, %parallel_loop3A_100 : vector<16xf32>
        %parallel_loop3A_103 = arith.addf %parallel_loop3A_102, %parallel_loop3A_101 : vector<16xf32>
        %parallel_loop3A_104 = arith.constant 30000 : i32
        %parallel_loop3A_105 = vector.broadcast %parallel_loop3A_104 : i32 to vector<16xi32>
        %parallel_loop3A_106 = arith.addi %parallel_loop3A_54, %parallel_loop3A_105 : vector<16xi32>
        %parallel_loop3A_107 = tpu.vector_load_idx %arg5[%parallel_loop3A_106] : memref<80000xi32, #tpu.memory_space<vmem>>[vector<16xi32>], vector<16xi32>,
        %parallel_loop3A_108 = arith.constant 30000 : i32
        %parallel_loop3A_109 = vector.broadcast %parallel_loop3A_108 : i32 to vector<16xi32>
        %parallel_loop3A_110 = arith.addi %parallel_loop3A_56, %parallel_loop3A_109 : vector<16xi32>
        %parallel_loop3A_111 = tpu.vector_load_idx %arg5[%parallel_loop3A_110] : memref<80000xi32, #tpu.memory_space<vmem>>[vector<16xi32>], vector<16xi32>,
        %parallel_loop3A_112 = vector.bitcast %parallel_loop3A_107 : vector<16xi32> to vector<32xbf16>
        %parallel_loop3A_113 = vector.bitcast %parallel_loop3A_111 : vector<16xi32> to vector<32xbf16>
        %parallel_loop3A_114 = arith.mulf %parallel_loop3A_112, %parallel_loop3A_113 : vector<32xbf16>
        %parallel_loop3A_115 = tpu.unpack_subelements %parallel_loop3A_114, 0 {pack_format = #tpu.pack_format<interleaved>} : vector<32xbf16> -> vector<16xf32>
        %parallel_loop3A_116 = tpu.unpack_subelements %parallel_loop3A_114, 1 {pack_format = #tpu.pack_format<interleaved>} : vector<32xbf16> -> vector<16xf32>
        %parallel_loop3A_117 = arith.addf %parallel_loop3A_103, %parallel_loop3A_115 : vector<16xf32>
        %parallel_loop3A_118 = arith.addf %parallel_loop3A_117, %parallel_loop3A_116 : vector<16xf32>
        %parallel_loop3A_119 = arith.constant 40000 : i32
        %parallel_loop3A_120 = vector.broadcast %parallel_loop3A_119 : i32 to vector<16xi32>
        %parallel_loop3A_121 = arith.addi %parallel_loop3A_54, %parallel_loop3A_120 : vector<16xi32>
        %parallel_loop3A_122 = tpu.vector_load_idx %arg5[%parallel_loop3A_121] : memref<80000xi32, #tpu.memory_space<vmem>>[vector<16xi32>], vector<16xi32>,
        %parallel_loop3A_123 = arith.constant 40000 : i32
        %parallel_loop3A_124 = vector.broadcast %parallel_loop3A_123 : i32 to vector<16xi32>
        %parallel_loop3A_125 = arith.addi %parallel_loop3A_56, %parallel_loop3A_124 : vector<16xi32>
        %parallel_loop3A_126 = tpu.vector_load_idx %arg5[%parallel_loop3A_125] : memref<80000xi32, #tpu.memory_space<vmem>>[vector<16xi32>], vector<16xi32>,
        %parallel_loop3A_127 = vector.bitcast %parallel_loop3A_122 : vector<16xi32> to vector<32xbf16>
        %parallel_loop3A_128 = vector.bitcast %parallel_loop3A_126 : vector<16xi32> to vector<32xbf16>
        %parallel_loop3A_129 = arith.mulf %parallel_loop3A_127, %parallel_loop3A_128 : vector<32xbf16>
        %parallel_loop3A_130 = tpu.unpack_subelements %parallel_loop3A_129, 0 {pack_format = #tpu.pack_format<interleaved>} : vector<32xbf16> -> vector<16xf32>
        %parallel_loop3A_131 = tpu.unpack_subelements %parallel_loop3A_129, 1 {pack_format = #tpu.pack_format<interleaved>} : vector<32xbf16> -> vector<16xf32>
        %parallel_loop3A_132 = arith.addf %parallel_loop3A_118, %parallel_loop3A_130 : vector<16xf32>
        %parallel_loop3A_133 = arith.addf %parallel_loop3A_132, %parallel_loop3A_131 : vector<16xf32>
        %parallel_loop3A_134 = arith.constant 50000 : i32
        %parallel_loop3A_135 = vector.broadcast %parallel_loop3A_134 : i32 to vector<16xi32>
        %parallel_loop3A_136 = arith.addi %parallel_loop3A_54, %parallel_loop3A_135 : vector<16xi32>
        %parallel_loop3A_137 = tpu.vector_load_idx %arg5[%parallel_loop3A_136] : memref<80000xi32, #tpu.memory_space<vmem>>[vector<16xi32>], vector<16xi32>,
        %parallel_loop3A_138 = arith.constant 50000 : i32
        %parallel_loop3A_139 = vector.broadcast %parallel_loop3A_138 : i32 to vector<16xi32>
        %parallel_loop3A_140 = arith.addi %parallel_loop3A_56, %parallel_loop3A_139 : vector<16xi32>
        %parallel_loop3A_141 = tpu.vector_load_idx %arg5[%parallel_loop3A_140] : memref<80000xi32, #tpu.memory_space<vmem>>[vector<16xi32>], vector<16xi32>,
        %parallel_loop3A_142 = vector.bitcast %parallel_loop3A_137 : vector<16xi32> to vector<32xbf16>
        %parallel_loop3A_143 = vector.bitcast %parallel_loop3A_141 : vector<16xi32> to vector<32xbf16>
        %parallel_loop3A_144 = arith.mulf %parallel_loop3A_142, %parallel_loop3A_143 : vector<32xbf16>
        %parallel_loop3A_145 = tpu.unpack_subelements %parallel_loop3A_144, 0 {pack_format = #tpu.pack_format<interleaved>} : vector<32xbf16> -> vector<16xf32>
        %parallel_loop3A_146 = tpu.unpack_subelements %parallel_loop3A_144, 1 {pack_format = #tpu.pack_format<interleaved>} : vector<32xbf16> -> vector<16xf32>
        %parallel_loop3A_147 = arith.addf %parallel_loop3A_133, %parallel_loop3A_145 : vector<16xf32>
        %parallel_loop3A_148 = arith.addf %parallel_loop3A_147, %parallel_loop3A_146 : vector<16xf32>
        %parallel_loop3A_149 = arith.constant 60000 : i32
        %parallel_loop3A_150 = vector.broadcast %parallel_loop3A_149 : i32 to vector<16xi32>
        %parallel_loop3A_151 = arith.addi %parallel_loop3A_54, %parallel_loop3A_150 : vector<16xi32>
        %parallel_loop3A_152 = tpu.vector_load_idx %arg5[%parallel_loop3A_151] : memref<80000xi32, #tpu.memory_space<vmem>>[vector<16xi32>], vector<16xi32>,
        %parallel_loop3A_153 = arith.constant 60000 : i32
        %parallel_loop3A_154 = vector.broadcast %parallel_loop3A_153 : i32 to vector<16xi32>
        %parallel_loop3A_155 = arith.addi %parallel_loop3A_56, %parallel_loop3A_154 : vector<16xi32>
        %parallel_loop3A_156 = tpu.vector_load_idx %arg5[%parallel_loop3A_155] : memref<80000xi32, #tpu.memory_space<vmem>>[vector<16xi32>], vector<16xi32>,
        %parallel_loop3A_157 = vector.bitcast %parallel_loop3A_152 : vector<16xi32> to vector<32xbf16>
        %parallel_loop3A_158 = vector.bitcast %parallel_loop3A_156 : vector<16xi32> to vector<32xbf16>
        %parallel_loop3A_159 = arith.mulf %parallel_loop3A_157, %parallel_loop3A_158 : vector<32xbf16>
        %parallel_loop3A_160 = tpu.unpack_subelements %parallel_loop3A_159, 0 {pack_format = #tpu.pack_format<interleaved>} : vector<32xbf16> -> vector<16xf32>
        %parallel_loop3A_161 = tpu.unpack_subelements %parallel_loop3A_159, 1 {pack_format = #tpu.pack_format<interleaved>} : vector<32xbf16> -> vector<16xf32>
        %parallel_loop3A_162 = arith.addf %parallel_loop3A_148, %parallel_loop3A_160 : vector<16xf32>
        %parallel_loop3A_163 = arith.addf %parallel_loop3A_162, %parallel_loop3A_161 : vector<16xf32>
        %parallel_loop3A_164 = arith.constant 70000 : i32
        %parallel_loop3A_165 = vector.broadcast %parallel_loop3A_164 : i32 to vector<16xi32>
        %parallel_loop3A_166 = arith.addi %parallel_loop3A_54, %parallel_loop3A_165 : vector<16xi32>
        %parallel_loop3A_167 = tpu.vector_load_idx %arg5[%parallel_loop3A_166] : memref<80000xi32, #tpu.memory_space<vmem>>[vector<16xi32>], vector<16xi32>,
        %parallel_loop3A_168 = arith.constant 70000 : i32
        %parallel_loop3A_169 = vector.broadcast %parallel_loop3A_168 : i32 to vector<16xi32>
        %parallel_loop3A_170 = arith.addi %parallel_loop3A_56, %parallel_loop3A_169 : vector<16xi32>
        %parallel_loop3A_171 = tpu.vector_load_idx %arg5[%parallel_loop3A_170] : memref<80000xi32, #tpu.memory_space<vmem>>[vector<16xi32>], vector<16xi32>,
        %parallel_loop3A_172 = vector.bitcast %parallel_loop3A_167 : vector<16xi32> to vector<32xbf16>
        %parallel_loop3A_173 = vector.bitcast %parallel_loop3A_171 : vector<16xi32> to vector<32xbf16>
        %parallel_loop3A_174 = arith.mulf %parallel_loop3A_172, %parallel_loop3A_173 : vector<32xbf16>
        %parallel_loop3A_175 = tpu.unpack_subelements %parallel_loop3A_174, 0 {pack_format = #tpu.pack_format<interleaved>} : vector<32xbf16> -> vector<16xf32>
        %parallel_loop3A_176 = tpu.unpack_subelements %parallel_loop3A_174, 1 {pack_format = #tpu.pack_format<interleaved>} : vector<32xbf16> -> vector<16xf32>
        %parallel_loop3A_177 = arith.addf %parallel_loop3A_163, %parallel_loop3A_175 : vector<16xf32>
        %parallel_loop3A_178 = arith.addf %parallel_loop3A_177, %parallel_loop3A_176 : vector<16xf32>
        %parallel_loop3A_179 = arith.index_cast %parallel_loop3A_52 : i32 to index
        %parallel_loop3A_180 = tpu.vector_load %arg8[%parallel_loop3A_179] {strides = array<i32>} : memref<8000xf32, #tpu.memory_space<vmem>>, vector<16xf32>,
        tpu.vector_store %arg8[%parallel_loop3A_179], %parallel_loop3A_178 {strides = array<i32>} : memref<8000xf32, #tpu.memory_space<vmem>>, vector<16xf32>,
      } {sc.loop_unroll_factor = 4 : i64, sc.parallel_access}
      "tpu.region"() ({
        %run_scoped3A = tpu.sem_alloc : memref<!tpu.dma_semaphore, #tpu.memory_space<semaphore_mem>>
        %dma_start3A = arith.constant 0 : i32
        %dma_start3A_49 = tpu.memref_slice %arg4[%select_n3A_7, %add3A_41, %dma_start3A] : memref<8x40x8000xf32, #tpu.memory_space<hbm>> -> memref<1x1x8000xf32, #tpu.memory_space<hbm>>
        %dma_start3A_50 = tpu.memref_squeeze %dma_start3A_49 : memref<1x1x8000xf32, #tpu.memory_space<hbm>> -> memref<8000xf32, #tpu.memory_space<hbm>>
        %dma_start3A_51 = arith.constant 0 : i32
        %dma_start3A_52 = tpu.memref_slice %arg4[%select_n3A_7, %add3A_41, %dma_start3A_51] : memref<8x40x8000xf32, #tpu.memory_space<hbm>> -> memref<1x1x8000xf32, #tpu.memory_space<hbm>>
        %dma_start3A_53 = tpu.memref_squeeze %dma_start3A_52 : memref<1x1x8000xf32, #tpu.memory_space<hbm>> -> memref<8000xf32, #tpu.memory_space<hbm>>
        tpu.enqueue_dma source(%arg8 : memref<8000xf32, #tpu.memory_space<vmem>>) target(%dma_start3A_53 : memref<8000xf32, #tpu.memory_space<hbm>>) target_semaphore(%run_scoped3A : memref<!tpu.dma_semaphore, #tpu.memory_space<semaphore_mem>>)
        %dma_wait3A = arith.constant 0 : i32
        %dma_wait3A_54 = tpu.memref_slice %arg4[%select_n3A_7, %add3A_41, %dma_wait3A] : memref<8x40x8000xf32, #tpu.memory_space<hbm>> -> memref<1x1x8000xf32, #tpu.memory_space<hbm>>
        %dma_wait3A_55 = tpu.memref_squeeze %dma_wait3A_54 : memref<1x1x8000xf32, #tpu.memory_space<hbm>> -> memref<8000xf32, #tpu.memory_space<hbm>>
        %dma_wait3A_56 = arith.constant 0 : i32
        %dma_wait3A_57 = tpu.memref_slice %arg4[%select_n3A_7, %add3A_41, %dma_wait3A_56] : memref<8x40x8000xf32, #tpu.memory_space<hbm>> -> memref<1x1x8000xf32, #tpu.memory_space<hbm>>
        %dma_wait3A_58 = tpu.memref_squeeze %dma_wait3A_57 : memref<1x1x8000xf32, #tpu.memory_space<hbm>> -> memref<8000xf32, #tpu.memory_space<hbm>>
        tpu.wait_dma2 semaphore(%run_scoped3A : memref<!tpu.dma_semaphore, #tpu.memory_space<semaphore_mem>>) src(%arg8 : memref<8000xf32, #tpu.memory_space<vmem>>) dst(%dma_wait3A_58 : memref<8000xf32, #tpu.memory_space<hbm>>)
        tpu.yield
      }) : () -> ()
      %scan3A_48 = arith.constant 0 : i32
      scf.yield %scan3A_48 : i32
    }
    %scan3A_36 = arith.constant 10 : i32
    return
  }
}

module attributes {stable_mosaic.version = 14 : i64} {
  func.func @_tc_reduce_body(%arg0: i32, %arg1: memref<8x6400xf32, #tpu.memory_space<vmem>>, %arg2: memref<1x6400xf32, #tpu.memory_space<vmem>>) attributes {dimension_semantics = [#tpu.dimension_semantics<arbitrary>], iteration_bounds = array<i64: 50>, scalar_prefetch = 0 : i64, scratch_operands = 0 : i64, tpu.core_type = #tpu.core_type<tc>, window_params = [{transform_indices = @transform_0, window_bounds = array<i64: 8, 6400>}, {transform_indices = @transform_1, window_bounds = array<i64: 1, 6400>}]} {
    %get3A = arith.constant 0 : index
    %get3A_0 = arith.constant 0 : index
    %get3A_1 = vector.load %arg1[%get3A, %get3A_0] : memref<8x6400xf32, #tpu.memory_space<vmem>>, vector<8x6400xf32>
    %reduce_sum3A = arith.constant dense<0.000000e+00> : vector<6400xf32>
    %reduce_sum3A_2 = vector.multi_reduction <add>, %get3A_1, %reduce_sum3A [0] : vector<8x6400xf32> to vector<6400xf32>
    %broadcast_in_dim3A = vector.shape_cast %reduce_sum3A_2 : vector<6400xf32> to vector<1x6400xf32>
    %swap3A = arith.constant 0 : index
    %swap3A_3 = arith.constant 0 : index
    %swap3A_4 = vector.load %arg2[%swap3A, %swap3A_3] : memref<1x6400xf32, #tpu.memory_space<vmem>>, vector<1x6400xf32>
    tpu.vector_store %arg2[%swap3A, %swap3A_3], %broadcast_in_dim3A {strides = array<i32>} : memref<1x6400xf32, #tpu.memory_space<vmem>>, vector<1x6400xf32>,
    return
  }
  func.func @transform_0(%arg0: i32) -> (i32, i32) {
    %c0_i32 = arith.constant 0 : i32
    %c0_i32_0 = arith.constant 0 : i32
    return %c0_i32, %arg0 : i32, i32
  }
  func.func @transform_1(%arg0: i32) -> (i32, i32) {
    %c0_i32 = arith.constant 0 : i32
    %c0_i32_0 = arith.constant 0 : i32
    return %c0_i32, %arg0 : i32, i32
  }
}

</mosaic_0001>

<sc_bundles>
// kernel: kernel.4.cloned.1.call-start
scs
__scs_entry_jumppad:
0x0: {  	(pc) =	sbr.rel $0x88, $3  }
0x1: {  	(tag) =	ssettag $0x0;
	lr =	simm.s32 $0x1  }
0x2: {  	[smem:$0x3F9F] =	sst lr;
	_ =	strace $0xD0000000  }
0x3: {  	_ = 	snop  }
0x4: {  	_ = 	snop  }
0x5: {  	_ = 	snop  }
0x6: {  	_ = 	snop  }
0x7: {  	_ = 	snop  }
__scs_overlays_trampoline_lowered:
0x8: {  	[smem:$0x3FAE] =	sst s0  }
0x9: {  	[smem:$0x3FAF] =	sst s1  }
0xa: {  	[smem:$0x3FB0] =	sst s2  }
0xb: {  	[smem:$0x3FB1] =	sst s3  }
0xc: {  	[smem:$0x3FB2] =	sst s4  }
0xd: {  	[smem:$0x3FB3] =	sst s5  }
0xe: {  	[smem:$0x3FB4] =	sst s6  }
0xf: {  	[smem:$0x3FB5] =	sst s7  }
0x10: {  	[smem:$0x3FB6] =	sst s8  }
0x11: {  	[smem:$0x3FB7] =	sst s9;
	s0 =	simm.s32 @!p0 $0x0  }
0x12: {  	s1 =	sld [smem:$0x3F9D];
	s0 =	simm.s32 @p0 $0x1  }
0x13: {  	[smem:$0x3FB8] =	sst s0;
	s0 =	simm.s32 @!p1 $0x0  }
0x14: {  	s2 =	sld [smem:$0x3F9C];
	s0 =	simm.s32 @p1 $0x1  }
0x15: {  	[smem:$0x3FB9] =	sst s0;
	s0 =	simm.s32 @!p2 $0x0  }
0x16: {  	s3 =	sld [smem:$0x3FDB];
	s0 =	simm.s32 @p2 $0x1  }
0x17: {  	s4 =	simm.s32 $0x1BF5;
	[smem:$0x3FBB] =	sst s0  }
0x18: {  	s0 =	sld [smem:$0x3F9E];
	_ =	swait.ge [sflag:s4], $0x0  }
0x19: {  	s7 =	sld [smem:$0x3F9F]  }
0x1a: {  	s8 =	sadd.s32 $0xFFFFE003, lr  }
0x1b: {  	s9 =	sadd.s32 $0xFFFFFEF7, lr;
	s5 =	simm.s32 $0xFFFFFFFF;
	p2 =	slt.u32 s8, $0xFFFFF086  }
0x1c: {  	p1 =	slt.u32 s9, $0xF7A;
	s5 =	simm.s32 @!p2 $0x0  }
0x1d: {  	s5 =	simm.s32 @p1 $0x1;
	p0 =	seq.s32 s7, s2  }
0x1e: {  	s7 =	smul.u32 @!p0 $0xF7A, s2;
	p2 =	seq.s32 @!p0 s5, $0x0  }
0x1f: {  	s9 =	smul.u32 $0xF7A, s1;
	s8 =	simm.s32 @!p0 $0x1BF5;
	p2 =	por !p2, p0  }
0x20: {  	[sflag:s8] =	ssyncset.s32 @!p0 $0xFFFFF086;
	s6 =	sadd.s32 @!p0 s3, s7;
	s7 =	simm.s32 @!p0 $0x108  }
0x21: {  	s3 =	sadd.s32 s3, s9;
	s6 =	sadd.s32 @!p0 $0x88, s6;
	s7 =	simm.s32 @p2 $0x1082  }
0x22: {  	[simem:s7], [sflag:s8] =	dma.local @!p0 [hbm:s6], $0xF7A  }
0x23: {  	s9 =	sor.u32 $0xD0000000, s2;
	s6 =	simm.s32 $0x108;
	_ =	swait.ge @!p0 [sflag:s8], $0x0  }
0x24: {  	s3 =	sadd.s32 $0x88, s3;
	s6 =	simm.s32 @!p1 $0x1082;
	[sflag:s4] =	ssyncset.s32 $0xFFFFF086  }
0x25: {  	[simem:s6], [sflag:s4] =	dma.local [hbm:s3], $0xF7A  }
0x26: {  	[smem:$0x3F9F] =	sst s1;
	(tag) =	ssettag s2;
	_ =	strace s9  }
0x27: {  	s1 =	sld [smem:$0x3FAF]  }
0x28: {  	s2 =	sld [smem:$0x3FB0]  }
0x29: {  	s4 =	sld [smem:$0x3FB2]  }
0x2a: {  	p0 =	seq.s32 s5, $0x0;
	s5 =	sld [smem:$0x3FB3]  }
0x2b: {  	s6 =	sld [smem:$0x3FB4]  }
0x2c: {  	s7 =	sld [smem:$0x3FB5]  }
0x2d: {  	s3 =	simm.s32 $0x108;
	s8 =	sld [smem:$0x3FB6]  }
0x2e: {  	s3 =	simm.s32 @!p0 $0x1082;
	s9 =	sld [smem:$0x3FB7]  }
0x2f: {  	lr =	sadd.s32 s0, s3;
	s0 =	sld [smem:$0x3FAE]  }
0x30: {  	s3 =	sld [smem:$0x3FB1]  }
0x31: {  	[smem:$0x3FBA] =	sst s10  }
0x32: {  	s10 =	sld [smem:$0x3FB8];
	_ =	sdelay $0x3  }
0x33: {  	p0 =	seq.s32 s10, $0x1;
	s10 =	sld [smem:$0x3FBA];
	_ =	sdelay $0x3  }
0x34: {  	[smem:$0x3FBA] =	sst s10  }
0x35: {  	s10 =	sld [smem:$0x3FB9];
	_ =	sdelay $0x3  }
0x36: {  	p1 =	seq.s32 s10, $0x1;
	s10 =	sld [smem:$0x3FBA];
	_ =	sdelay $0x3  }
0x37: {  	[smem:$0x3FBA] =	sst s10  }
0x38: {  	s10 =	sld [smem:$0x3FBB]  }
0x39: {  	_ = 	snop;
	(pc) =	sbr.ind lr, $3  }
0x3a: {  	_ = 	snop  }
0x3b: {  	_ = 	snop  }
0x3c: {  	p2 =	seq.s32 s10, $0x1;
	s10 =	sld [smem:$0x3FBA]  }
0x3d: {  	_ =	shalt  }
0x3e: {  	_ =	shalt  }
0x3f: {  	_ =	shalt  }
0x40: {  	_ =	shalt  }
0x41: {  	_ =	shalt  }
0x42: {  	_ =	shalt  }
0x43: {  	_ =	shalt  }
0x44: {  	_ =	shalt  }
0x45: {  	_ =	shalt  }
0x46: {  	_ =	shalt  }
0x47: {  	_ =	shalt  }
0x48: {  	_ =	shalt  }
0x49: {  	_ =	shalt  }
0x4a: {  	_ =	shalt  }
0x4b: {  	_ =	shalt  }
0x4c: {  	_ =	shalt  }
0x4d: {  	_ =	shalt  }
0x4e: {  	_ =	shalt  }
0x4f: {  	_ =	shalt  }
0x50: {  	_ =	shalt  }
0x51: {  	_ =	shalt  }
0x52: {  	_ =	shalt  }
0x53: {  	_ =	shalt  }
0x54: {  	_ =	shalt  }
0x55: {  	_ =	shalt  }
0x56: {  	_ =	shalt  }
0x57: {  	_ =	shalt  }
0x58: {  	_ =	shalt  }
0x59: {  	_ =	shalt  }
0x5a: {  	_ =	shalt  }
0x5b: {  	_ =	shalt  }
0x5c: {  	_ =	shalt  }
0x5d: {  	_ =	shalt  }
0x5e: {  	_ =	shalt  }
0x5f: {  	_ =	shalt  }
0x60: {  	_ =	shalt  }
0x61: {  	_ =	shalt  }
0x62: {  	_ =	shalt  }
0x63: {  	_ =	shalt  }
0x64: {  	_ =	shalt  }
0x65: {  	_ =	shalt  }
0x66: {  	_ =	shalt  }
0x67: {  	_ =	shalt  }
0x68: {  	_ =	shalt  }
0x69: {  	_ =	shalt  }
0x6a: {  	_ =	shalt  }
0x6b: {  	_ =	shalt  }
0x6c: {  	_ =	shalt  }
0x6d: {  	_ =	shalt  }
0x6e: {  	_ =	shalt  }
0x6f: {  	_ =	shalt  }
0x70: {  	_ =	shalt  }
0x71: {  	_ =	shalt  }
0x72: {  	_ =	shalt  }
0x73: {  	_ =	shalt  }
0x74: {  	_ =	shalt  }
0x75: {  	_ =	shalt  }
0x76: {  	_ =	shalt  }
0x77: {  	_ =	shalt  }
0x78: {  	_ =	shalt  }
0x79: {  	_ =	shalt  }
0x7a: {  	_ =	shalt  }
0x7b: {  	_ =	shalt  }
0x7c: {  	_ =	shalt  }
0x7d: {  	_ =	shalt  }
0x7e: {  	_ =	shalt  }
0x7f: {  	_ =	shalt  }
0x80: {  	_ =	shalt  }
0x81: {  	_ =	shalt  }
0x82: {  	_ =	shalt  }
0x83: {  	_ =	shalt  }
0x84: {  	_ =	shalt  }
0x85: {  	_ =	shalt  }
0x86: {  	_ =	shalt  }
0x87: {  	_ =	shalt  }
.Lfunc_end0:
.L_simem_size_0:
called_computation_lowered:
.L_overlay_start_0:
0x88: {  	s2 =	sld [smem:$0x3FD9]  }
0x89: {  	s3 =	sld [smem:$0x3FFE];
	_ =	sdelay $0x1  }
0x8a: {  	s1 =	srdreg.scid  }
0x8b: {  	s0 =	sand.u32 $0x1, s1  }
0x8c: {  	s16 =	sshll.u32 s0, $0xA;
	s2 =	sadd.s32 s3, s2  }
0x8d: {  	s2 =	sadd.s32 s2, s16  }
0x8e: {  	[smem:$0x3FC6] =	sst s2  }
0x8f: {  	_ = 	snop  }
0x90: {  	(tm) =	ssettm $0x1  }
0x91: {  	s17 =	sld [smem:$0x3FFB];
	_ =	sdelay $0x3  }
0x92: {  	_ =	strace s17  }
0x93: {  	s2 =	sld [smem:$0x3FFC];
	_ =	sdelay $0x3  }
0x94: {  	_ =	strace s2  }
0x95: {  	s2 =	sld [smem:$0x3FFD];
	_ =	sdelay $0x3  }
0x96: {  	_ =	strace s2  }
0x97: {  	_ =	strace $0x8FFFFFFF  }
0x98: {  	s18 =	sld [smem:$0x3FDB];
	_ =	sdelay $0x1  }
0x99: {  	s19 =	simm.s32 $_scs_section_size  }
0x9a: {  	s4 =	simm.s32 $_size__tile_overlayer_lowered;
	s5 =	simm.s32 $_tile_overlayer_lowered  }
0x9b: {  	s22 =	simm.s32 $0x1BFF;
	s21 =	sshll.u32 s5, $0x1;
	s2 =	sadd.s32 s19, s18  }
0x9c: {  	s6 =	simm.s32 $0x0;
	s20 =	sshll.u32 s4, $0x1;
	s4 =	sadd.s32 s21, s2  }
0x9d: {  	[timem:s6], [sflag:s22] =	dma.local [hbm:s4], s20  }
0x9e: {  	_ =	swait.ge [sflag:s22], s20  }
0x9f: {  	s3 =	ssub.s32 $0x0, s20;
	[sflag:s22] =	ssyncset.done $0x0  }
0xa0: {  	[sflag:s22] =	ssyncadd.s32 s3;
	_ =	sdelay $0x1  }
0xa1: {  	s23 =	simm.s32 $0x1B8B  }
0xa2: {  	_ =	swait.ge [sflag:s23], $0x1  }
0xa3: {  	[sflag:s23] =	ssyncset.done $0x0  }
0xa4: {  	s25 =	simm.s32 $0x1B8E;
	s24 =	sld [smem:$0x3FFE];
	[sflag:s23] =	ssyncadd.s32 $0xFFFFFFFF  }
0xa5: {  	s26 =	simm.s32 $execute0_lowered;
	[smem:$0x3FD2] =	sst s25  }
0xa6: {  	s4 =	sshll.u32 s26, $0x1;
	_ =	strace $0x80000046;
	[dreg:$0x1] =	wrdreg $0xFFFFFFFF  }
0xa7: {  	s28 =	simm.s32 $_size_execute0_lowered;
	s2 =	sadd.s32 s2, s4;
	[dreg:$0x0] =	wrdreg $0x0  }
0xa8: {  	s4 =	sshll.u32 s28, $0x1;
	[dreg:$0x2] =	wrdreg s2  }
0xa9: {  	[dreg:$0x3] =	wrdreg s4  }
0xaa: {  	[dreg:$0x4] =	wrdreg $0xC0  }
0xab: {  	_ =	task [dreg:s6], $0x5FFFF  }
0xac: {  	[dreg:$0x1] =	wrdreg $0xFFFFFFFF  }
0xad: {  	[dreg:$0x0] =	wrdreg $0x60  }
0xae: {  	[dreg:$0x2] =	wrdreg s24  }
0xaf: {  	[dreg:$0x3] =	wrdreg $0x9  }
0xb0: {  	_ =	task.clear_ibuf [dreg:s6], $0x4FFFF;
	_ =	strace $0x90000046  }
0xb1: {  	s29 =	simm.s32 $0x9;
	_ =	strace $0x80000048  }
0xb2: {  	_ =	swait.ge [sflag:s29], $0x1  }
0xb3: {  	[sflag:s29] =	ssyncadd.s32 $0xFFFFFFFF  }
0xb4: {  	_ =	strace $0x90000048  }
0xb5: {  	_ =	sfence  }
0xb6: {  	s30 =	sld [smem:$0x0];
	_ =	sdelay $0x2  }
0xb7: {  	s31 =	sshll.u32 s1, $0xD;
	s1 =	sshrl.u32 s1, $0x2  }
0xb8: {  	s3 =	sand.u32 $0x4000, s31;
	s1 =	sadd.s32 s1, s30  }
0xb9: {  	s0 =	sor.u32 s3, s0;
	s1 =	sshll.u32 s1, $0x11  }
0xba: {  	s0 =	sor.u32 s1, s0  }
0xbb: {  	s0 =	sadd.s32 $0x8F2B, s0  }
0xbc: {  	[sflag:s0] =	ssyncadd.remote.s32 $0x1  }
0xbd: {  	_ =	sfence.sel $0xFFFF  }
0xbe: {  	[dreg:$0x0] =	wrdreg $0xFFFFFFFF;
	(pc) =	sbr.abs _section_cstart, $3  }
0xbf: {  	[dreg:$0x1] =	wrdreg $0xFFFFFFFF  }
0xc0: {  	_ =	task.clear_ibuf [dreg:s6], $0x2FFFF;
	_ =	strace $0x9FFFFFFF  }
0xc1: {  	(tm) =	ssettm $0x7FFFFFFF  }
tec
execute0_lowered:
.L_overlay_start_1:
0x0: {  	(tag) =	ssettag $0x1  }
0x1: {  	s4 =	rddreg [dreg:$0x0]  }
0x2: {  	s0 =	rddreg [dreg:$0x1];
	s2 =	simm.s32 $0x0  }
0x3: {  	s1 =	stileid.u32;
	s5 =	srdreg.scid;
	s11 =	simm.s32 $0x1  }
0x4: {  	s12 =	simm.s32 $0x13880;
	s13 =	simm.s32 $0x15800;
	s14 =	simm.s32 $0x17780  }
0x5: {  	s15 =	simm.s32 $0x0;
	[smem:$0x7FF] =	sst s2;
	s7 =	sand.u32 $0x7, s1  }
0x6: {  	s5 =	sand.u32 $0x1, s5;
	s9 =	sshrl.u32 s1, $0x3;
	_ =	strace $0x80000047  }
0x7: {  	s3 =	sshll.u32 s7, $0x4;
	s8 =	ssub.s32 $0x2, s5;
	s5 =	sshll.u32 s5, $0x1  }
0x8: {  	s7 =	smul.u32 $0x4EC00, s7;
	s6 =	sadd.s32 s3, s4;
	s3 =	sadd.s32 $0x200, s4  }
0x9: {  	s4 =	sadd.s32 $0x27600, s4;
	s10 =	sshrl.u32 s8, $0x1;
	s9 =	sor.u32 s9, s5  }
0xa: {  	s8 =	ssub.s32 s8, s10;
	s5 =	sadd.s32 $0x13C00, s6;
	s6 =	smul.u32 $0xA, s9  }
0xb: {  	s9 =	simm.s32 $0x80;
	s10 =	simm.s32 $0x400;
	s8 =	smax.u32 s8, $0x1  }
.LBB2_1:
0xc: {  	[tilespmem:s2], [sflag:$0x1] =	stream.strided.gather [hbm4b:s5+s9], $0x13880, s10, s9, $0x38;
	[tilespmem:$0x19700] =	vst v63  }
0xd: {  	_ =	swait.ge [sflag:s11], $0x13880  }
0xe: {  	[sflag:s11] =	ssyncset.done $0x0  }
0xf: {  	s16 =	simm.s32 $0x0;
	[sflag:s11] =	ssyncadd.s32 $0xFFFEC780  }
.LBB2_2:
0x10: {  	s17 =	sadd.s32 s6, s16  }
0x11: {  	s18 =	smul.u32 $0x1F40, s17;
	_ =	sdelay $0x1  }
0x12: {  	s18 =	sshrl.u32 s18, $0x3  }
0x13: {  	s18 =	sadd.s32 s3, s18  }
0x14: {  	[tilespmem:s12], [sflag:$0x1] =	stream.linear.gather [hbm4b:s18+s2], $0x1F40, $0x38;
	[tilespmem:$0x19700] =	vst v63  }
0x15: {  	_ =	swait.ge [sflag:s11], $0x1F40  }
0x16: {  	[sflag:s11] =	ssyncset.done $0x0  }
0x17: {  	s18 =	sadd.s32 $0x9C40, s18;
	[sflag:s11] =	ssyncadd.s32 $0xFFFFE0C0  }
0x18: {  	[tilespmem:s13], [sflag:$0x1] =	stream.linear.gather [hbm4b:s18+s2], $0x1F40, $0x38;
	[tilespmem:$0x19700] =	vst v63  }
0x19: {  	_ =	swait.ge [sflag:s11], $0x1F40  }
0x1a: {  	[sflag:s11] =	ssyncset.done $0x0  }
0x1b: {  	s30 =	simm.s32 $0x138A0;
	[sflag:s11] =	ssyncadd.s32 $0xFFFFE0C0  }
0x1c: {  	s19 =	simm.s32 $0x15820;
	v18 =	vld [tilespmem:s30+$0x10]  }
0x1d: {  	v19 =	vld [tilespmem:s19+$0x10]  }
0x1e: {  	v5 =	vld [tilespmem:s19+$0xFFFFFFE0]  }
0x1f: {  	v4 =	vld [tilespmem:s30+$0xFFFFFFF0]  }
0x20: {  	v3 =	vld [tilespmem:s19+$0xFFFFFFF0]  }
0x21: {  	v6 =	vld [tilespmem:s30+$0xFFFFFFE0]  }
0x22: {  	v1 =	vld [tilespmem:s30+$0x0]  }
0x23: {  	v0 =	vld [tilespmem:s19+$0x0]  }
0x24: {  	v8 =	vld.idx.msk [tilespmem:v18+s2+$0x0], $0xffff  }
0x25: {  	v10 =	vld.idx.msk [tilespmem:v19+s2+$0x0], $0xffff  }
0x26: {  	v23 =	vld.idx.msk [tilespmem:v5+s2+$0x0], $0xffff  }
0x27: {  	v7 =	vadd.s32 $0x2710, v18;
	v25 =	vld.idx.msk [tilespmem:v4+s2+$0x0], $0xffff  }
0x28: {  	v9 =	vadd.s32 $0x2710, v19;
	v34 =	vld.idx.msk [tilespmem:v3+s2+$0x0], $0xffff  }
0x29: {  	v11 =	vadd.s32 $0x4E20, v18;
	v37 =	vld.idx.msk [tilespmem:v6+s2+$0x0], $0xffff  }
0x2a: {  	v38 =	vadd.s32 $0x7530, v18;
	v45 =	vld.idx.msk [tilespmem:v1+s2+$0x0], $0xffff  }
0x2b: {  	v41 =	vadd.s32 $0x7530, v19;
	v46 =	vld.idx.msk [tilespmem:v0+s2+$0x0], $0xffff  }
0x2c: {  	v32 =	vadd.s32 $0x2710, v6;
	v27 =	vld.idx.msk [tilespmem:v7+s2+$0x0], $0xffff  }
0x2d: {  	v12 =	vadd.s32 $0x2710, v5;
	v9 =	vld.idx.msk [tilespmem:v9+s2+$0x0], $0xffff  }
0x2e: {  	v21 =	vadd.s32 $0x2710, v4;
	v40 =	vld.idx.msk [tilespmem:v11+s2+$0x0], $0xffff  }
0x2f: {  	v24 =	vadd.s32 $0x2710, v3;
	v38 =	vld.idx.msk [tilespmem:v38+s2+$0x0], $0xffff  }
0x30: {  	v59 =	vadd.s32 $0xC350, v18;
	v41 =	vld.idx.msk [tilespmem:v41+s2+$0x0], $0xffff  }
0x31: {  	v60 =	vadd.s32 $0xC350, v19;
	v32 =	vld.idx.msk [tilespmem:v32+s2+$0x0], $0xffff  }
0x32: {  	v28 =	vadd.s32 $0x2710, v1;
	v58 =	vld.idx.msk [tilespmem:v12+s2+$0x0], $0xffff  }
0x33: {  	v30 =	vadd.s32 $0x2710, v0;
	v21 =	vld.idx.msk [tilespmem:v21+s2+$0x0], $0xffff  }
0x34: {  	v33 =	vadd.s32 $0x4E20, v6;
	v24 =	vld.idx.msk [tilespmem:v24+s2+$0x0], $0xffff  }
0x35: {  	v20 =	vadd.s32 $0x4E20, v5;
	v53 =	vld.idx.msk [tilespmem:v59+s2+$0x0], $0xffff  }
0x36: {  	v22 =	vadd.s32 $0x4E20, v4;
	v55 =	vld.idx.msk [tilespmem:v60+s2+$0x0], $0xffff  }
0x37: {  	v26 =	vadd.s32 $0x4E20, v3;
	v28 =	vld.idx.msk [tilespmem:v28+s2+$0x0], $0xffff  }
0x38: {  	v29 =	vadd.s32 $0x4E20, v1;
	v30 =	vld.idx.msk [tilespmem:v30+s2+$0x0], $0xffff  }
0x39: {  	v31 =	vadd.s32 $0x4E20, v0;
	v33 =	vld.idx.msk [tilespmem:v33+s2+$0x0], $0xffff  }
0x3a: {  	v2 =	vadd.s32 $0x7530, v5;
	v16 =	vadd.s32 $0x7530, v4;
	v17 =	vadd.s32 $0x9C40, v6;
	v20 =	vld.idx.msk [tilespmem:v20+s2+$0x0], $0xffff  }
0x3b: {  	v35 =	vadd.s32 $0x7530, v6;
	v36 =	vadd.s32 $0x7530, v3;
	v14 =	vadd.s32 $0x9C40, v5;
	v22 =	vld.idx.msk [tilespmem:v22+s2+$0x0], $0xffff  }
0x3c: {  	v39 =	vadd.s32 $0x7530, v1;
	v42 =	vadd.s32 $0x7530, v0;
	v15 =	vadd.s32 $0x9C40, v4;
	v26 =	vld.idx.msk [tilespmem:v26+s2+$0x0], $0xffff  }
0x3d: {  	v13 =	vadd.s32 $0x9C40, v3;
	v47 =	vadd.s32 $0x9C40, v18;
	v7 =	vadd.s32 $0x4E20, v19;
	v29 =	vld.idx.msk [tilespmem:v29+s2+$0x0], $0xffff  }
0x3e: {  	v49 =	vadd.s32 $0x9C40, v19;
	v51 =	vadd.s32 $0xEA60, v18;
	v54 =	vadd.s32 $0xEA60, v19;
	v31 =	vld.idx.msk [tilespmem:v31+s2+$0x0], $0xffff  }
0x3f: {  	v18 =	vadd.s32 $0x11170, v18;
	v11 =	vadd.s32 $0x9C40, v0;
	v12 =	vadd.s32 $0xC350, v3;
	v17 =	vld.idx.msk [tilespmem:v17+s2+$0x0], $0xffff  }
0x40: {  	v19 =	vadd.s32 $0x11170, v19;
	v14 =	vld.idx.msk [tilespmem:v14+s2+$0x0], $0xffff;
	v43 =	vmul.bf16 v10, v8;
	v25 =	vmul.bf16 v34, v25  }
0x41: {  	v15 =	vld.idx.msk [tilespmem:v15+s2+$0x0], $0xffff;
	v10 =	vadd.s32 $0x9C40, v1;
	v23 =	vmul.bf16 v23, v37;
	v45 =	vmul.bf16 v46, v45  }
0x42: {  	v46 =	vadd.s32 $0xEA60, v1;
	v44 =	vld.idx.msk [tilespmem:v7+s2+$0x0], $0xffff;
	v7 =	vadd.s32 $0xC350, v6;
	v8 =	vunpack.i.l.bf16.f32 v43  }
0x43: {  	v13 =	vld.idx.msk [tilespmem:v13+s2+$0x0], $0xffff;
	v43 =	vunpack.i.u.bf16.f32 v43;
	v27 =	vmul.bf16 v9, v27;
	v9 =	vadd.s32 $0xC350, v4  }
0x44: {  	v50 =	vunpack.i.u.bf16.f32 v25;
	v38 =	vmul.bf16 v41, v38;
	v32 =	vmul.bf16 v58, v32  }
0x45: {  	v25 =	vunpack.i.l.bf16.f32 v25;
	v21 =	vmul.bf16 v24, v21;
	v41 =	vmul.bf16 v55, v53  }
0x46: {  	v61 =	vunpack.i.l.bf16.f32 v23;
	v28 =	vmul.bf16 v30, v28;
	v20 =	vmul.bf16 v20, v33  }
0x47: {  	v23 =	vunpack.i.u.bf16.f32 v23;
	v22 =	vmul.bf16 v26, v22;
	v29 =	vmul.bf16 v31, v29  }
0x48: {  	v14 =	vmul.bf16 v14, v17;
	v13 =	vmul.bf16 v13, v15;
	v48 =	vadd.f32 $0.0e+00, v8  }
0x49: {  	v8 =	vadd.s32 $0xC350, v5;
	v62 =	vadd.f32 $0.0e+00, v61;
	v25 =	vadd.f32 $0.0e+00, v25  }
0x4a: {  	v59 =	vld.idx.msk [tilespmem:v51+s2+$0x0], $0xffff;
	v57 =	vunpack.i.l.bf16.f32 v27;
	v27 =	vunpack.i.u.bf16.f32 v27;
	v60 =	vunpack.i.u.bf16.f32 v38  }
0x4b: {  	v37 =	vld.idx.msk [tilespmem:v47+s2+$0x0], $0xffff;
	v47 =	vunpack.i.u.bf16.f32 v32;
	v32 =	vunpack.i.l.bf16.f32 v32;
	v51 =	vunpack.i.l.bf16.f32 v28  }
0x4c: {  	v52 =	vunpack.i.u.bf16.f32 v41;
	v28 =	vunpack.i.u.bf16.f32 v28;
	v56 =	vadd.f32 v48, v43  }
0x4d: {  	v18 =	vld.idx.msk [tilespmem:v18+s2+$0x0], $0xffff;
	v23 =	vadd.f32 v62, v23;
	v62 =	vunpack.i.u.bf16.f32 v45;
	v25 =	vadd.f32 v25, v50  }
0x4e: {  	v19 =	vld.idx.msk [tilespmem:v19+s2+$0x0], $0xffff;
	v48 =	vunpack.i.l.bf16.f32 v21;
	v21 =	vunpack.i.u.bf16.f32 v21;
	v34 =	vadd.f32 v57, v56  }
0x4f: {  	v16 =	vld.idx.msk [tilespmem:v16+s2+$0x0], $0xffff;
	v50 =	vadd.s32 $0xC350, v1;
	v43 =	vadd.s32 $0xEA60, v3;
	v40 =	vmul.bf16 v44, v40  }
0x50: {  	v11 =	vld.idx.msk [tilespmem:v11+s2+$0x0], $0xffff;
	v3 =	vadd.s32 $0x11170, v3;
	v1 =	vadd.s32 $0x11170, v1;
	v27 =	vadd.f32 v34, v27  }
0x51: {  	v61 =	vld.idx.msk [tilespmem:v54+s2+$0x0], $0xffff;
	v56 =	vunpack.i.l.bf16.f32 v45;
	v23 =	vadd.f32 v32, v23;
	v63 =	vunpack.i.l.bf16.f32 v40  }
0x52: {  	v44 =	vld.idx.msk [tilespmem:v49+s2+$0x0], $0xffff;
	v57 =	vunpack.i.l.bf16.f32 v38;
	v25 =	vadd.f32 v48, v25;
	v27 =	vadd.f32 v63, v27  }
0x53: {  	v12 =	vld.idx.msk [tilespmem:v12+s2+$0x0], $0xffff;
	v49 =	vunpack.i.l.bf16.f32 v41;
	v18 =	vmul.bf16 v19, v18;
	v40 =	vunpack.i.u.bf16.f32 v40  }
0x54: {  	v10 =	vld.idx.msk [tilespmem:v10+s2+$0x0], $0xffff;
	v38 =	vunpack.i.l.bf16.f32 v22;
	v22 =	vunpack.i.u.bf16.f32 v22;
	v27 =	vadd.f32 v27, v40  }
0x55: {  	v54 =	vld.idx.msk [tilespmem:v35+s2+$0x0], $0xffff;
	v41 =	vadd.s32 $0xEA60, v4;
	v48 =	vadd.s32 $0xEA60, v0;
	v4 =	vadd.s32 $0x11170, v4  }
0x56: {  	v7 =	vld.idx.msk [tilespmem:v7+s2+$0x0], $0xffff;
	v58 =	vadd.f32 $0.0e+00, v56;
	v53 =	vmul.bf16 v61, v59;
	v27 =	vadd.f32 v57, v27  }
0x57: {  	v9 =	vld.idx.msk [tilespmem:v9+s2+$0x0], $0xffff;
	v23 =	vadd.f32 v23, v47;
	v21 =	vadd.f32 v25, v21;
	v37 =	vmul.bf16 v44, v37  }
0x58: {  	v56 =	vld.idx.msk [tilespmem:v2+s2+$0x0], $0xffff;
	v55 =	vunpack.i.l.bf16.f32 v53;
	v59 =	vunpack.i.u.bf16.f32 v53;
	v27 =	vadd.f32 v27, v60  }
0x59: {  	v61 =	vld.idx.msk [tilespmem:v39+s2+$0x0], $0xffff;
	v10 =	vmul.bf16 v11, v10;
	v63 =	vadd.f32 v58, v62;
	v45 =	vunpack.i.l.bf16.f32 v37  }
0x5a: {  	v8 =	vld.idx.msk [tilespmem:v8+s2+$0x0], $0xffff;
	v58 =	vunpack.i.l.bf16.f32 v20;
	v20 =	vunpack.i.u.bf16.f32 v20;
	v27 =	vadd.f32 v45, v27  }
0x5b: {  	v3 =	vld.idx.msk [tilespmem:v3+s2+$0x0], $0xffff;
	v62 =	vadd.s32 $0xEA60, v6;
	v21 =	vadd.f32 v38, v21;
	v37 =	vunpack.i.u.bf16.f32 v37  }
0x5c: {  	v6 =	vadd.s32 $0x11170, v6;
	v9 =	vmul.bf16 v12, v9;
	v12 =	vld.idx.msk [tilespmem:v48+s2+$0x0], $0xffff;
	v27 =	vadd.f32 v27, v37  }
0x5d: {  	v23 =	vadd.f32 v58, v23;
	v4 =	vld.idx.msk [tilespmem:v4+s2+$0x0], $0xffff;
	v24 =	vadd.f32 v51, v63;
	v63 =	vunpack.i.l.bf16.f32 v18  }
0x5e: {  	s31 =	simm.s32 $0x138E0;
	v18 =	vunpack.i.u.bf16.f32 v18;
	v39 =	vmul.bf16 v56, v54;
	v54 =	vld.idx.msk [tilespmem:v46+s2+$0x0], $0xffff;
	v27 =	vadd.f32 v49, v27  }
0x5f: {  	v40 =	vunpack.i.u.bf16.f32 v29;
	v29 =	vunpack.i.l.bf16.f32 v29;
	v21 =	vadd.f32 v21, v22;
	v22 =	vld [tilespmem:s31+$0x10]  }
0x60: {  	v7 =	vmul.bf16 v8, v7;
	v8 =	vunpack.i.l.bf16.f32 v10;
	v60 =	vld.idx.msk [tilespmem:v36+s2+$0x0], $0xffff;
	v27 =	vadd.f32 v27, v52  }
0x61: {  	v24 =	vadd.f32 v24, v28;
	v37 =	vadd.s32 $0xEA60, v5;
	v5 =	vadd.s32 $0x11170, v5  }
0x62: {  	v10 =	vunpack.i.u.bf16.f32 v10;
	v20 =	vadd.f32 v23, v20;
	v36 =	vld.idx.msk [tilespmem:v42+s2+$0x0], $0xffff;
	v2 =	vadd.f32 v55, v27  }
0x63: {  	s18 =	simm.s32 $0x15860;
	v57 =	vadd.s32 $0xC350, v0;
	v0 =	vadd.s32 $0x11170, v0;
	v24 =	vadd.f32 v29, v24  }
0x64: {  	v23 =	vld [tilespmem:s18+$0x10];
	v42 =	vunpack.i.u.bf16.f32 v39;
	v3 =	vmul.bf16 v3, v4;
	v2 =	vadd.f32 v2, v59  }
0x65: {  	v6 =	vld.idx.msk [tilespmem:v6+s2+$0x0], $0xffff;
	v12 =	vmul.bf16 v12, v54;
	v56 =	vadd.s32 $0x4E20, v22;
	v16 =	vmul.bf16 v60, v16  }
0x66: {  	v58 =	vadd.s32 $0x7530, v22;
	v44 =	vadd.f32 v24, v40;
	v5 =	vld.idx.msk [tilespmem:v5+s2+$0x0], $0xffff;
	v2 =	vadd.f32 v63, v2  }
0x67: {  	v51 =	vld.idx.msk [tilespmem:v62+s2+$0x0], $0xffff;
	v25 =	vmul.bf16 v36, v61;
	v45 =	vunpack.i.u.bf16.f32 v16;
	v16 =	vunpack.i.l.bf16.f32 v16  }
0x68: {  	v15 =	vld.idx.msk [tilespmem:v57+s2+$0x0], $0xffff;
	v16 =	vadd.f32 v16, v21;
	v2 =	vadd.f32 v2, v18;
	v18 =	vunpack.i.l.bf16.f32 v39  }
0x69: {  	v49 =	vld.idx.msk [tilespmem:v50+s2+$0x0], $0xffff;
	v47 =	vunpack.i.u.bf16.f32 v25;
	v25 =	vunpack.i.l.bf16.f32 v25;
	v18 =	vadd.f32 v18, v20  }
0x6a: {  	v52 =	vunpack.i.u.bf16.f32 v13;
	v13 =	vunpack.i.l.bf16.f32 v13;
	v11 =	vld.idx.msk [tilespmem:v37+s2+$0x0], $0xffff;
	v16 =	vadd.f32 v16, v45  }
0x6b: {  	v6 =	vmul.bf16 v5, v6;
	v5 =	vld [tilespmem:s31+$0xFFFFFFF0];
	v20 =	vadd.f32 v25, v44;
	v18 =	vadd.f32 v18, v42  }
0x6c: {  	v50 =	vunpack.i.u.bf16.f32 v14;
	v14 =	vunpack.i.l.bf16.f32 v14;
	v13 =	vadd.f32 v13, v16  }
0x6d: {  	v19 =	vld.idx.msk [tilespmem:v43+s2+$0x0], $0xffff;
	v60 =	vadd.s32 $0x7530, v23;
	v17 =	vadd.f32 v20, v47;
	v14 =	vadd.f32 v14, v18  }
0x6e: {  	v53 =	vld.idx.msk [tilespmem:v41+s2+$0x0], $0xffff;
	v55 =	vunpack.i.l.bf16.f32 v7;
	v7 =	vunpack.i.u.bf16.f32 v7;
	v13 =	vadd.f32 v13, v52  }
0x6f: {  	v15 =	vmul.bf16 v15, v49;
	v8 =	vadd.f32 v8, v17;
	v14 =	vadd.f32 v14, v50  }
0x70: {  	v1 =	vld.idx.msk [tilespmem:v1+s2+$0x0], $0xffff;
	v11 =	vmul.bf16 v11, v51;
	v26 =	vadd.s32 $0x2710, v5;
	v27 =	vadd.s32 $0x4E20, v5  }
0x71: {  	v0 =	vld.idx.msk [tilespmem:v0+s2+$0x0], $0xffff;
	v8 =	vadd.f32 v8, v10;
	v10 =	vadd.f32 v55, v14;
	v14 =	vunpack.i.l.bf16.f32 v9  }
0x72: {  	v41 =	vld.idx.msk [tilespmem:v58+s2+$0x0], $0xffff;
	v9 =	vunpack.i.u.bf16.f32 v9;
	v13 =	vadd.f32 v14, v13;
	v14 =	vunpack.i.u.bf16.f32 v15  }
0x73: {  	v59 =	vld.idx.msk [tilespmem:v56+s2+$0x0], $0xffff;
	v15 =	vunpack.i.l.bf16.f32 v15;
	v7 =	vadd.f32 v10, v7;
	v10 =	vmul.bf16 v19, v53  }
0x74: {  	v44 =	vld.idx.msk [tilespmem:v60+s2+$0x0], $0xffff;
	v8 =	vadd.f32 v15, v8;
	v15 =	vunpack.i.l.bf16.f32 v11;
	v9 =	vadd.f32 v13, v9  }
0x75: {  	v30 =	vld.idx.msk [tilespmem:v5+s2+$0x0], $0xffff;
	v19 =	vadd.s32 $0x9C40, v5;
	v7 =	vadd.f32 v15, v7;
	v13 =	vunpack.i.l.bf16.f32 v10  }
0x76: {  	v1 =	vmul.bf16 v0, v1;
	v26 =	vld.idx.msk [tilespmem:v26+s2+$0x0], $0xffff;
	v11 =	vunpack.i.u.bf16.f32 v11;
	v9 =	vadd.f32 v13, v9  }
0x77: {  	v27 =	vld.idx.msk [tilespmem:v27+s2+$0x0], $0xffff;
	v14 =	vadd.f32 v8, v14;
	v10 =	vunpack.i.u.bf16.f32 v10;
	v7 =	vadd.f32 v7, v11  }
0x78: {  	v8 =	vld [tilespmem:s18+$0xFFFFFFE0];
	v11 =	vunpack.i.u.bf16.f32 v12;
	v12 =	vunpack.i.l.bf16.f32 v12;
	v9 =	vadd.f32 v9, v10  }
0x79: {  	v4 =	vadd.f32 v12, v14;
	v10 =	vunpack.i.u.bf16.f32 v6;
	v12 =	vunpack.i.l.bf16.f32 v6;
	v6 =	vld [tilespmem:s18+$0xFFFFFFF0]  }
0x7a: {  	v19 =	vld.idx.msk [tilespmem:v19+s2+$0x0], $0xffff  }
0x7b: {  	v0 =	vunpack.i.u.bf16.f32 v1;
	v13 =	vunpack.i.l.bf16.f32 v3;
	v12 =	vadd.f32 v12, v7;
	v7 =	vld [tilespmem:s31+$0x0]  }
0x7c: {  	v14 =	vadd.s32 $0x2710, v23;
	v11 =	vadd.f32 v4, v11;
	v13 =	vadd.f32 v13, v9;
	v9 =	vld [tilespmem:s18+$0x0]  }
0x7d: {  	v4 =	vunpack.i.u.bf16.f32 v3;
	v24 =	vadd.s32 $0x2710, v8;
	v3 =	vadd.f32 v12, v10;
	v10 =	vld [tilespmem:s31+$0xFFFFFFE0]  }
0x7e: {  	v1 =	vunpack.i.l.bf16.f32 v1;
	v25 =	vadd.s32 $0x4E20, v8;
	v4 =	vadd.f32 v13, v4;
	v13 =	vld.idx.msk [tilespmem:v22+s2+$0x0], $0xffff  }
0x7f: {  	v18 =	vadd.s32 $0x9C40, v8;
	v1 =	vadd.f32 v1, v11;
	v11 =	vld.idx.msk [tilespmem:v23+s2+$0x0], $0xffff  }
0x80: {  	v12 =	vadd.s32 $0x2710, v22;
	v16 =	vld.idx.msk [tilespmem:v8+s2+$0x0], $0xffff  }
0x81: {  	v14 =	vld.idx.msk [tilespmem:v14+s2+$0x0], $0xffff  }
0x82: {  	v60 =	vld.idx.msk [tilespmem:v24+s2+$0x0], $0xffff  }
0x83: {  	v25 =	vld.idx.msk [tilespmem:v25+s2+$0x0], $0xffff  }
0x84: {  	v52 =	vadd.s32 $0x9C40, v22;
	v28 =	vadd.s32 $0x2710, v6;
	v18 =	vld.idx.msk [tilespmem:v18+s2+$0x0], $0xffff  }
0x85: {  	v51 =	vadd.s32 $0xC350, v22;
	v17 =	vadd.s32 $0x7530, v5;
	v29 =	vadd.s32 $0x4E20, v6;
	v57 =	vld.idx.msk [tilespmem:v12+s2+$0x0], $0xffff  }
0x86: {  	v41 =	vmul.bf16 v44, v41;
	v15 =	vadd.s32 $0x7530, v8;
	v39 =	vadd.s32 $0x7530, v6;
	v38 =	vld.idx.msk [tilespmem:v6+s2+$0x0], $0xffff  }
0x87: {  	v31 =	vadd.s32 $0x2710, v7;
	v32 =	vadd.s32 $0x4E20, v7;
	v42 =	vadd.s32 $0x7530, v7;
	v48 =	vld.idx.msk [tilespmem:v7+s2+$0x0], $0xffff  }
0x88: {  	v33 =	vadd.s32 $0x2710, v9;
	v34 =	vadd.s32 $0x4E20, v9;
	v45 =	vadd.s32 $0x7530, v9;
	v49 =	vld.idx.msk [tilespmem:v9+s2+$0x0], $0xffff  }
0x89: {  	v21 =	vadd.s32 $0x9C40, v9;
	v24 =	vadd.s32 $0xC350, v6;
	v12 =	vadd.s32 $0x4E20, v23;
	v28 =	vld.idx.msk [tilespmem:v28+s2+$0x0], $0xffff  }
0x8a: {  	v35 =	vadd.s32 $0x2710, v10;
	v36 =	vadd.s32 $0x4E20, v10;
	v11 =	vmul.bf16 v11, v13;
	v29 =	vld.idx.msk [tilespmem:v29+s2+$0x0], $0xffff  }
0x8b: {  	v37 =	vadd.s32 $0x7530, v10;
	v20 =	vadd.s32 $0x9C40, v10;
	v53 =	vadd.s32 $0xEA60, v10;
	v40 =	vld.idx.msk [tilespmem:v10+s2+$0x0], $0xffff  }
0x8c: {  	v13 =	vadd.s32 $0x9C40, v6;
	v61 =	vunpack.i.l.bf16.f32 v11;
	v63 =	vunpack.i.u.bf16.f32 v11;
	v31 =	vld.idx.msk [tilespmem:v31+s2+$0x0], $0xffff  }
0x8d: {  	v11 =	vadd.s32 $0xC350, v10;
	v10 =	vadd.s32 $0x11170, v10;
	v46 =	vadd.f32 $0.0e+00, v61;
	v33 =	vld.idx.msk [tilespmem:v33+s2+$0x0], $0xffff  }
0x8e: {  	v62 =	vld.idx.msk [tilespmem:v12+s2+$0x0], $0xffff;
	v12 =	vadd.s32 $0x9C40, v7;
	v56 =	vmul.bf16 v14, v57;
	v57 =	vadd.s32 $0x9C40, v23  }
0x8f: {  	v35 =	vld.idx.msk [tilespmem:v35+s2+$0x0], $0xffff;
	v30 =	vmul.bf16 v38, v30;
	v14 =	vadd.f32 v46, v63;
	v48 =	vmul.bf16 v49, v48  }
0x90: {  	v36 =	vld.idx.msk [tilespmem:v36+s2+$0x0], $0xffff;
	v58 =	vunpack.i.l.bf16.f32 v56;
	v26 =	vmul.bf16 v28, v26;
	v27 =	vmul.bf16 v29, v27  }
0x91: {  	v20 =	vld.idx.msk [tilespmem:v20+s2+$0x0], $0xffff;
	v40 =	vmul.bf16 v16, v40;
	v50 =	vadd.f32 v58, v14;
	v16 =	vadd.s32 $0xC350, v8  }
0x92: {  	v15 =	vld.idx.msk [tilespmem:v15+s2+$0x0], $0xffff;
	v14 =	vadd.s32 $0xC350, v5;
	v58 =	vadd.s32 $0xEA60, v22;
	v22 =	vadd.s32 $0x11170, v22  }
0x93: {  	v32 =	vld.idx.msk [tilespmem:v32+s2+$0x0], $0xffff;
	v31 =	vmul.bf16 v33, v31;
	v43 =	vmul.bf16 v62, v59;
	v59 =	vunpack.i.u.bf16.f32 v56  }
0x94: {  	v13 =	vld.idx.msk [tilespmem:v13+s2+$0x0], $0xffff;
	v62 =	vunpack.i.l.bf16.f32 v40;
	v56 =	vadd.s32 $0xC350, v23;
	v40 =	vunpack.i.u.bf16.f32 v40  }
0x95: {  	v47 =	vld.idx.msk [tilespmem:v34+s2+$0x0], $0xffff;
	v35 =	vmul.bf16 v60, v35;
	v60 =	vunpack.i.l.bf16.f32 v30;
	v30 =	vunpack.i.u.bf16.f32 v30  }
0x96: {  	v63 =	vld.idx.msk [tilespmem:v52+s2+$0x0], $0xffff;
	v25 =	vmul.bf16 v25, v36;
	v36 =	vadd.s32 $0xC350, v9;
	v18 =	vmul.bf16 v18, v20  }
0x97: {  	v46 =	vld.idx.msk [tilespmem:v57+s2+$0x0], $0xffff;
	v61 =	vadd.f32 v50, v59;
	v57 =	vadd.f32 $0.0e+00, v62;
	v59 =	vunpack.i.l.bf16.f32 v41  }
0x98: {  	v21 =	vld.idx.msk [tilespmem:v21+s2+$0x0], $0xffff;
	v62 =	vadd.s32 $0xEA60, v23;
	v44 =	vadd.f32 $0.0e+00, v60;
	v41 =	vunpack.i.u.bf16.f32 v41  }
0x99: {  	v12 =	vld.idx.msk [tilespmem:v12+s2+$0x0], $0xffff;
	v23 =	vadd.s32 $0x11170, v23;
	v13 =	vmul.bf16 v13, v19;
	v55 =	vunpack.i.l.bf16.f32 v43  }
0x9a: {  	v11 =	vld.idx.msk [tilespmem:v11+s2+$0x0], $0xffff;
	v43 =	vunpack.i.u.bf16.f32 v43;
	v49 =	vadd.f32 v55, v61;
	v40 =	vadd.f32 v57, v40  }
0x9b: {  	v30 =	vadd.f32 v44, v30;
	v55 =	vld.idx.msk [tilespmem:v58+s2+$0x0], $0xffff;
	v58 =	vunpack.i.u.bf16.f32 v35;
	v35 =	vunpack.i.l.bf16.f32 v35  }
0x9c: {  	v61 =	vld.idx.msk [tilespmem:v51+s2+$0x0], $0xffff;
	v43 =	vadd.f32 v49, v43;
	v46 =	vmul.bf16 v46, v63;
	v63 =	vunpack.i.l.bf16.f32 v48  }
0x9d: {  	v22 =	vld.idx.msk [tilespmem:v22+s2+$0x0], $0xffff;
	v48 =	vunpack.i.u.bf16.f32 v48;
	v35 =	vadd.f32 v35, v40;
	v40 =	vadd.s32 $0xC350, v7  }
0x9e: {  	v16 =	vld.idx.msk [tilespmem:v16+s2+$0x0], $0xffff;
	v12 =	vmul.bf16 v21, v12;
	v50 =	vadd.f32 $0.0e+00, v63;
	v38 =	vadd.f32 v59, v43  }
0x9f: {  	v54 =	vld.idx.msk [tilespmem:v56+s2+$0x0], $0xffff;
	v57 =	vunpack.i.l.bf16.f32 v46;
	v59 =	vunpack.i.l.bf16.f32 v26;
	v46 =	vunpack.i.u.bf16.f32 v46  }
0xa0: {  	v43 =	vld.idx.msk [tilespmem:v62+s2+$0x0], $0xffff;
	v26 =	vunpack.i.u.bf16.f32 v26;
	v35 =	vadd.f32 v35, v58;
	v62 =	vunpack.i.l.bf16.f32 v31  }
0xa1: {  	v49 =	vld.idx.msk [tilespmem:v37+s2+$0x0], $0xffff;
	v31 =	vunpack.i.u.bf16.f32 v31;
	v58 =	vunpack.i.l.bf16.f32 v27;
	v27 =	vunpack.i.u.bf16.f32 v27  }
0xa2: {  	v23 =	vld.idx.msk [tilespmem:v23+s2+$0x0], $0xffff;
	v56 =	vadd.f32 v50, v48;
	v30 =	vadd.f32 v59, v30;
	v50 =	vunpack.i.l.bf16.f32 v25  }
0xa3: {  	v25 =	vunpack.i.u.bf16.f32 v25;
	v59 =	vld.idx.msk [tilespmem:v45+s2+$0x0], $0xffff;
	v45 =	vadd.s32 $0xEA60, v9;
	v11 =	vmul.bf16 v16, v11  }
0xa4: {  	v38 =	vadd.f32 v38, v41;
	v52 =	vadd.f32 v50, v35;
	v60 =	vmul.bf16 v54, v61  }
0xa5: {  	v28 =	vadd.f32 v62, v56;
	v26 =	vadd.f32 v30, v26;
	v56 =	vadd.s32 $0xEA60, v8  }
0xa6: {  	v30 =	vmul.bf16 v47, v32;
	v15 =	vmul.bf16 v15, v49;
	v49 =	vunpack.i.u.bf16.f32 v13  }
0xa7: {  	v13 =	vunpack.i.l.bf16.f32 v13;
	v8 =	vadd.s32 $0x11170, v8;
	v38 =	vadd.f32 v57, v38  }
0xa8: {  	v22 =	vmul.bf16 v23, v22;
	v23 =	vadd.f32 v52, v25;
	v52 =	vunpack.i.l.bf16.f32 v12  }
0xa9: {  	v17 =	vld.idx.msk [tilespmem:v17+s2+$0x0], $0xffff;
	v12 =	vunpack.i.u.bf16.f32 v12;
	v61 =	vunpack.i.l.bf16.f32 v60;
	v63 =	vunpack.i.u.bf16.f32 v60  }
0xaa: {  	v14 =	vld.idx.msk [tilespmem:v14+s2+$0x0], $0xffff;
	v41 =	vmul.bf16 v43, v55;
	v28 =	vadd.f32 v28, v31;
	v26 =	vadd.f32 v58, v26  }
0xab: {  	v54 =	vld.idx.msk [tilespmem:v39+s2+$0x0], $0xffff;
	v60 =	vunpack.i.u.bf16.f32 v30;
	v30 =	vunpack.i.l.bf16.f32 v30;
	v62 =	vunpack.i.l.bf16.f32 v15  }
0xac: {  	v47 =	vld.idx.msk [tilespmem:v24+s2+$0x0], $0xffff;
	v15 =	vunpack.i.u.bf16.f32 v15;
	v58 =	vadd.s32 $0x11170, v9;
	v38 =	vadd.f32 v38, v46  }
0xad: {  	v57 =	vld.idx.msk [tilespmem:v42+s2+$0x0], $0xffff;
	v55 =	vunpack.i.l.bf16.f32 v22;
	v22 =	vunpack.i.u.bf16.f32 v22;
	v23 =	vadd.f32 v62, v23  }
0xae: {  	v46 =	vunpack.i.l.bf16.f32 v18;
	v18 =	vunpack.i.u.bf16.f32 v18;
	v48 =	vunpack.i.l.bf16.f32 v41  }
0xaf: {  	v51 =	vunpack.i.u.bf16.f32 v41;
	v26 =	vadd.f32 v26, v27;
	v41 =	vadd.s32 $0xEA60, v7  }
0xb0: {  	v7 =	vadd.s32 $0x11170, v7;
	v33 =	vadd.f32 v61, v38;
	v61 =	vadd.f32 v30, v28  }
0xb1: {  	v17 =	vmul.bf16 v54, v17;
	v38 =	vadd.s32 $0xEA60, v6;
	v15 =	vadd.f32 v23, v15  }
0xb2: {  	v14 =	vmul.bf16 v47, v14;
	v32 =	vmul.bf16 v59, v57;
	v33 =	vadd.f32 v33, v63  }
0xb3: {  	v50 =	vld.idx.msk [tilespmem:v36+s2+$0x0], $0xffff;
	v63 =	vadd.s32 $0xEA60, v5;
	v27 =	vadd.f32 v61, v60;
	v39 =	vunpack.i.l.bf16.f32 v17  }
0xb4: {  	v60 =	vld.idx.msk [tilespmem:v45+s2+$0x0], $0xffff;
	v26 =	vadd.f32 v39, v26;
	v43 =	vunpack.i.l.bf16.f32 v32;
	v33 =	vadd.f32 v48, v33  }
0xb5: {  	v17 =	vunpack.i.u.bf16.f32 v17;
	v15 =	vadd.f32 v46, v15;
	v44 =	vadd.f32 v43, v27;
	v48 =	vld.idx.msk [tilespmem:v40+s2+$0x0], $0xffff  }
0xb6: {  	v42 =	vunpack.i.u.bf16.f32 v32;
	v17 =	vadd.f32 v26, v17;
	v33 =	vadd.f32 v33, v51;
	v51 =	vld.idx.msk [tilespmem:v53+s2+$0x0], $0xffff  }
0xb7: {  	v6 =	vadd.s32 $0x11170, v6;
	v15 =	vadd.f32 v15, v18;
	v20 =	vadd.f32 v44, v42;
	v53 =	vld.idx.msk [tilespmem:v56+s2+$0x0], $0xffff  }
0xb8: {  	v5 =	vadd.s32 $0x11170, v5;
	v56 =	vld.idx.msk [tilespmem:v38+s2+$0x0], $0xffff;
	v13 =	vadd.f32 v13, v17;
	v33 =	vadd.f32 v55, v33  }
0xb9: {  	v54 =	vld.idx.msk [tilespmem:v63+s2+$0x0], $0xffff;
	v16 =	vadd.f32 v52, v20;
	v55 =	vunpack.i.l.bf16.f32 v11;
	v11 =	vunpack.i.u.bf16.f32 v11  }
0xba: {  	v57 =	vld.idx.msk [tilespmem:v41+s2+$0x0], $0xffff;
	v13 =	vadd.f32 v13, v49;
	v9 =	vadd.f32 v55, v15;
	v15 =	vunpack.i.l.bf16.f32 v14  }
0xbb: {  	v10 =	vld.idx.msk [tilespmem:v10+s2+$0x0], $0xffff;
	v59 =	vmul.bf16 v50, v48;
	v14 =	vunpack.i.u.bf16.f32 v14;
	v22 =	vadd.f32 v33, v22  }
0xbc: {  	v8 =	vld.idx.msk [tilespmem:v8+s2+$0x0], $0xffff;
	v12 =	vadd.f32 v16, v12;
	v13 =	vadd.f32 v15, v13;
	v15 =	vmul.bf16 v53, v51  }
0xbd: {  	s19 =	simm.s32 $0x177A0;
	v61 =	vunpack.i.u.bf16.f32 v59;
	v62 =	vunpack.i.l.bf16.f32 v59;
	v9 =	vadd.f32 v9, v11  }
0xbe: {  	[tilespmem:s19+$0x10] =	vst v2;
	v2 =	vld.idx.msk [tilespmem:v5+s2+$0x0], $0xffff;
	v11 =	vadd.f32 v62, v12;
	v63 =	vmul.bf16 v56, v54;
	v12 =	vunpack.i.l.bf16.f32 v15  }
0xbf: {  	v5 =	vld.idx.msk [tilespmem:v6+s2+$0x0], $0xffff;
	v13 =	vadd.f32 v13, v14;
	v14 =	vunpack.i.u.bf16.f32 v15;
	v15 =	vmul.bf16 v60, v57  }
0xc0: {  	[tilespmem:s19+$0xFFFFFFE0] =	vst v3;
	v3 =	vld.idx.msk [tilespmem:v7+s2+$0x0], $0xffff;
	v12 =	vadd.f32 v12, v9;
	v6 =	vadd.f32 v11, v61;
	v11 =	vunpack.i.l.bf16.f32 v63  }
0xc1: {  	s20 =	simm.s32 $0x177E0;
	[tilespmem:s19+$0xFFFFFFF0] =	vst v4;
	v7 =	vld.idx.msk [tilespmem:v58+s2+$0x0], $0xffff;
	v10 =	vmul.bf16 v8, v10;
	v9 =	vunpack.i.u.bf16.f32 v63;
	v11 =	vadd.f32 v11, v13  }
0xc2: {  	s21 =	simm.s32 $0x4;
	s22 =	simm.s32 $0x13920;
	[tilespmem:s20+$0x10] =	vst v22;
	v8 =	vunpack.i.u.bf16.f32 v15;
	v4 =	vadd.f32 v12, v14;
	v12 =	vunpack.i.l.bf16.f32 v15  }
.LBB2_3:
0xc3: {  	v23 =	vld [tilespmem:s22+$0x10];
	v9 =	vadd.f32 v11, v9;
	v11 =	vadd.f32 v12, v6;
	s18 =	sadd.s32 $0x40, s18  }
0xc4: {  	s21 =	sadd.s32 $0x4, s21;
	v2 =	vmul.bf16 v5, v2;
	v24 =	vld [tilespmem:s18+$0x10];
	v12 =	vunpack.i.u.bf16.f32 v10;
	v10 =	vunpack.i.l.bf16.f32 v10  }
0xc5: {  	p0 =	slt.u32 s21, $0x1F0;
	v6 =	vld [tilespmem:s18+$0xFFFFFFE0];
	v5 =	vadd.f32 v10, v4;
	v8 =	vadd.f32 v11, v8  }
0xc6: {  	v10 =	vunpack.i.u.bf16.f32 v2;
	v11 =	vunpack.i.l.bf16.f32 v2;
	v7 =	vmul.bf16 v7, v3;
	v4 =	vld [tilespmem:s22+$0xFFFFFFF0]  }
0xc7: {  	v9 =	vadd.f32 v11, v9;
	v2 =	vld [tilespmem:s18+$0xFFFFFFF0];
	v12 =	vadd.f32 v5, v12  }
0xc8: {  	v13 =	vadd.f32 v1, v0;
	v11 =	vunpack.i.l.bf16.f32 v7;
	v0 =	vunpack.i.u.bf16.f32 v7;
	v3 =	vld [tilespmem:s22+$0x0]  }
0xc9: {  	v9 =	vadd.f32 v9, v10;
	v1 =	vadd.f32 v11, v8;
	v5 =	vld [tilespmem:s18+$0x0];
	[tilespmem:s20+$0xFFFFFFE0] =	vst v12  }
0xca: {  	v8 =	vadd.s32 $0x2710, v23;
	v7 =	vld [tilespmem:s22+$0xFFFFFFE0];
	v31 =	vadd.s32 $0x2710, v6;
	v30 =	vadd.s32 $0x4E20, v6;
	[tilespmem:s19+$0x0] =	vst v13;
	s19 =	smov.u32 s20  }
0xcb: {  	v11 =	vadd.s32 $0x2710, v24;
	v32 =	vadd.s32 $0x2710, v4;
	v25 =	vadd.s32 $0x4E20, v4;
	v10 =	vld.idx.msk [tilespmem:v23+s2+$0x0], $0xffff;
	[tilespmem:s20+$0xFFFFFFF0] =	vst v9  }
0xcc: {  	v17 =	vadd.s32 $0x7530, v6;
	v33 =	vadd.s32 $0x2710, v2;
	v28 =	vadd.s32 $0x4E20, v2;
	v9 =	vld.idx.msk [tilespmem:v24+s2+$0x0], $0xffff  }
0xcd: {  	v18 =	vadd.s32 $0x7530, v4;
	v34 =	vld.idx.msk [tilespmem:v6+s2+$0x0], $0xffff;
	v35 =	vadd.s32 $0x2710, v3;
	v27 =	vadd.s32 $0x4E20, v3  }
0xce: {  	v13 =	vadd.s32 $0x4E20, v23;
	v36 =	vld.idx.msk [tilespmem:v4+s2+$0x0], $0xffff;
	v37 =	vadd.s32 $0x2710, v5;
	v26 =	vadd.s32 $0x4E20, v5  }
0xcf: {  	v38 =	vadd.s32 $0x2710, v7;
	v39 =	vadd.s32 $0x4E20, v7;
	v40 =	vld.idx.msk [tilespmem:v8+s2+$0x0], $0xffff;
	v8 =	vadd.s32 $0x4E20, v24  }
0xd0: {  	v22 =	vadd.s32 $0x7530, v2;
	v20 =	vadd.s32 $0x7530, v3;
	v29 =	vadd.s32 $0x7530, v7;
	v11 =	vld.idx.msk [tilespmem:v11+s2+$0x0], $0xffff  }
0xd1: {  	v16 =	vadd.s32 $0x9C40, v6;
	v21 =	vadd.s32 $0x7530, v5;
	v19 =	vadd.s32 $0x9C40, v7;
	v41 =	vld.idx.msk [tilespmem:v2+s2+$0x0], $0xffff  }
0xd2: {  	v44 =	vadd.s32 $0x7530, v23;
	v15 =	vadd.s32 $0x9C40, v4;
	v43 =	vmul.bf16 v9, v10;
	v42 =	vld.idx.msk [tilespmem:v7+s2+$0x0], $0xffff  }
0xd3: {  	v46 =	vadd.s32 $0x7530, v24;
	v14 =	vadd.s32 $0x9C40, v2;
	v12 =	vadd.s32 $0x9C40, v3;
	v45 =	vld.idx.msk [tilespmem:v13+s2+$0x0], $0xffff  }
0xd4: {  	v9 =	vadd.s32 $0xC350, v7;
	v13 =	vadd.s32 $0x9C40, v5;
	v47 =	vunpack.i.l.bf16.f32 v43;
	v48 =	vld.idx.msk [tilespmem:v8+s2+$0x0], $0xffff  }
0xd5: {  	v10 =	vadd.s32 $0xC350, v6;
	v8 =	vadd.s32 $0xC350, v4;
	v47 =	vadd.f32 $0.0e+00, v47;
	v49 =	vld.idx.msk [tilespmem:v3+s2+$0x0], $0xffff  }
0xd6: {  	v51 =	vadd.s32 $0x9C40, v23;
	v43 =	vunpack.i.u.bf16.f32 v43;
	v40 =	vmul.bf16 v11, v40;
	v50 =	vld.idx.msk [tilespmem:v5+s2+$0x0], $0xffff  }
0xd7: {  	v36 =	vmul.bf16 v41, v36;
	v41 =	vadd.f32 v47, v43;
	v43 =	vld.idx.msk [tilespmem:v44+s2+$0x0], $0xffff;
	v44 =	vadd.s32 $0x9C40, v24  }
0xd8: {  	v11 =	vadd.s32 $0xC350, v2;
	v34 =	vmul.bf16 v34, v42;
	v42 =	vunpack.i.l.bf16.f32 v40;
	v46 =	vld.idx.msk [tilespmem:v46+s2+$0x0], $0xffff  }
0xd9: {  	v47 =	vunpack.i.u.bf16.f32 v36;
	v36 =	vunpack.i.l.bf16.f32 v36;
	v41 =	vadd.f32 v42, v41;
	v38 =	vld.idx.msk [tilespmem:v38+s2+$0x0], $0xffff  }
0xda: {  	v40 =	vunpack.i.u.bf16.f32 v40;
	v42 =	vmul.bf16 v48, v45;
	v45 =	vadd.s32 $0xC350, v23;
	v31 =	vld.idx.msk [tilespmem:v31+s2+$0x0], $0xffff  }
0xdb: {  	v48 =	vunpack.i.l.bf16.f32 v34;
	v40 =	vadd.f32 v41, v40;
	v41 =	vld.idx.msk [tilespmem:v51+s2+$0x0], $0xffff;
	v51 =	vadd.s32 $0xC350, v24  }
0xdc: {  	v48 =	vadd.f32 $0.0e+00, v48;
	v49 =	vmul.bf16 v50, v49;
	v50 =	vunpack.i.l.bf16.f32 v42;
	v44 =	vld.idx.msk [tilespmem:v44+s2+$0x0], $0xffff  }
0xdd: {  	v34 =	vunpack.i.u.bf16.f32 v34;
	v36 =	vadd.f32 $0.0e+00, v36;
	v40 =	vadd.f32 v50, v40;
	v32 =	vld.idx.msk [tilespmem:v32+s2+$0x0], $0xffff  }
0xde: {  	v42 =	vunpack.i.u.bf16.f32 v42;
	v43 =	vmul.bf16 v46, v43;
	v46 =	vadd.s32 $0xEA60, v23;
	v33 =	vld.idx.msk [tilespmem:v33+s2+$0x0], $0xffff  }
0xdf: {  	v50 =	vunpack.i.l.bf16.f32 v49;
	v40 =	vadd.f32 v40, v42;
	v42 =	vld.idx.msk [tilespmem:v45+s2+$0x0], $0xffff;
	v45 =	vadd.s32 $0xEA60, v24  }
0xe0: {  	v31 =	vmul.bf16 v31, v38;
	v38 =	vadd.f32 $0.0e+00, v50;
	v50 =	vunpack.i.l.bf16.f32 v43;
	v51 =	vld.idx.msk [tilespmem:v51+s2+$0x0], $0xffff  }
0xe1: {  	v34 =	vadd.f32 v48, v34;
	v48 =	vunpack.i.u.bf16.f32 v49;
	v40 =	vadd.f32 v50, v40;
	v35 =	vld.idx.msk [tilespmem:v35+s2+$0x0], $0xffff  }
0xe2: {  	v23 =	vadd.s32 $0x11170, v23;
	v43 =	vunpack.i.u.bf16.f32 v43;
	v41 =	vmul.bf16 v44, v41;
	v37 =	vld.idx.msk [tilespmem:v37+s2+$0x0], $0xffff  }
0xe3: {  	v36 =	vadd.f32 v36, v47;
	v24 =	vadd.s32 $0x11170, v24;
	v40 =	vadd.f32 v40, v43;
	v43 =	vld.idx.msk [tilespmem:v46+s2+$0x0], $0xffff  }
0xe4: {  	v32 =	vmul.bf16 v33, v32;
	v33 =	vadd.f32 v38, v48;
	v38 =	vunpack.i.l.bf16.f32 v41;
	v44 =	vld.idx.msk [tilespmem:v45+s2+$0x0], $0xffff  }
0xe5: {  	v45 =	vunpack.i.u.bf16.f32 v31;
	v31 =	vunpack.i.l.bf16.f32 v31;
	v38 =	vadd.f32 v38, v40;
	v39 =	vld.idx.msk [tilespmem:v39+s2+$0x0], $0xffff  }
0xe6: {  	v41 =	vunpack.i.u.bf16.f32 v41;
	v40 =	vunpack.i.l.bf16.f32 v32;
	v42 =	vmul.bf16 v51, v42;
	v30 =	vld.idx.msk [tilespmem:v30+s2+$0x0], $0xffff  }
0xe7: {  	v31 =	vadd.f32 v31, v34;
	v32 =	vunpack.i.u.bf16.f32 v32;
	v34 =	vadd.f32 v38, v41;
	v23 =	vld.idx.msk [tilespmem:v23+s2+$0x0], $0xffff  }
0xe8: {  	v36 =	vadd.f32 v40, v36;
	v35 =	vmul.bf16 v37, v35;
	v37 =	vunpack.i.l.bf16.f32 v42;
	v24 =	vld.idx.msk [tilespmem:v24+s2+$0x0], $0xffff  }
0xe9: {  	v38 =	vadd.s32 $0xC350, v3;
	v31 =	vadd.f32 v31, v45;
	v34 =	vadd.f32 v37, v34;
	v25 =	vld.idx.msk [tilespmem:v25+s2+$0x0], $0xffff  }
0xea: {  	v40 =	vunpack.i.u.bf16.f32 v42;
	v37 =	vunpack.i.l.bf16.f32 v35;
	v41 =	vmul.bf16 v44, v43;
	v28 =	vld.idx.msk [tilespmem:v28+s2+$0x0], $0xffff  }
0xeb: {  	v35 =	vunpack.i.u.bf16.f32 v35;
	v33 =	vadd.f32 v37, v33;
	v34 =	vadd.f32 v34, v40;
	v27 =	vld.idx.msk [tilespmem:v27+s2+$0x0], $0xffff  }
0xec: {  	v32 =	vadd.f32 v36, v32;
	v30 =	vmul.bf16 v30, v39;
	v36 =	vunpack.i.l.bf16.f32 v41;
	v26 =	vld.idx.msk [tilespmem:v26+s2+$0x0], $0xffff  }
0xed: {  	v33 =	vadd.f32 v33, v35;
	v35 =	vadd.s32 $0xC350, v5;
	v34 =	vadd.f32 v36, v34;
	v29 =	vld.idx.msk [tilespmem:v29+s2+$0x0], $0xffff  }
0xee: {  	v37 =	vunpack.i.u.bf16.f32 v41;
	v36 =	vunpack.i.l.bf16.f32 v30;
	v23 =	vmul.bf16 v24, v23;
	v17 =	vld.idx.msk [tilespmem:v17+s2+$0x0], $0xffff  }
0xef: {  	v24 =	vunpack.i.u.bf16.f32 v30;
	v30 =	vadd.f32 v36, v31;
	v31 =	vadd.f32 v34, v37;
	v18 =	vld.idx.msk [tilespmem:v18+s2+$0x0], $0xffff  }
0xf0: {  	v34 =	vadd.s32 $0xEA60, v7;
	v25 =	vmul.bf16 v28, v25;
	v28 =	vunpack.i.l.bf16.f32 v23;
	v22 =	vld.idx.msk [tilespmem:v22+s2+$0x0], $0xffff  }
0xf1: {  	v24 =	vadd.f32 v30, v24;
	v30 =	vadd.s32 $0xEA60, v6;
	v28 =	vadd.f32 v28, v31;
	v20 =	vld.idx.msk [tilespmem:v20+s2+$0x0], $0xffff  }
0xf2: {  	v23 =	vunpack.i.u.bf16.f32 v23;
	v31 =	vunpack.i.l.bf16.f32 v25;
	v26 =	vmul.bf16 v26, v27;
	v21 =	vld.idx.msk [tilespmem:v21+s2+$0x0], $0xffff  }
0xf3: {  	v25 =	vunpack.i.u.bf16.f32 v25;
	v27 =	vadd.f32 v31, v32;
	v23 =	vadd.f32 v28, v23;
	v19 =	vld.idx.msk [tilespmem:v19+s2+$0x0], $0xffff  }
0xf4: {  	s20 =	sadd.s32 $0x40, s20;
	v17 =	vmul.bf16 v17, v29;
	v28 =	vunpack.i.u.bf16.f32 v26;
	v26 =	vunpack.i.l.bf16.f32 v26;
	v16 =	vld.idx.msk [tilespmem:v16+s2+$0x0], $0xffff  }
0xf5: {  	v25 =	vadd.f32 v27, v25;
	v27 =	vadd.s32 $0xEA60, v4;
	v26 =	vadd.f32 v26, v33;
	v15 =	vld.idx.msk [tilespmem:v15+s2+$0x0], $0xffff;
	[tilespmem:s20+$0x10] =	vst v23  }
0xf6: {  	v23 =	vunpack.i.u.bf16.f32 v17;
	v17 =	vunpack.i.l.bf16.f32 v17;
	v18 =	vmul.bf16 v22, v18;
	v14 =	vld.idx.msk [tilespmem:v14+s2+$0x0], $0xffff  }
0xf7: {  	v22 =	vadd.s32 $0xEA60, v2;
	v17 =	vadd.f32 v17, v24;
	v24 =	vadd.f32 v26, v28;
	v12 =	vld.idx.msk [tilespmem:v12+s2+$0x0], $0xffff  }
0xf8: {  	v26 =	vunpack.i.u.bf16.f32 v18;
	v18 =	vunpack.i.l.bf16.f32 v18;
	v20 =	vmul.bf16 v21, v20;
	v13 =	vld.idx.msk [tilespmem:v13+s2+$0x0], $0xffff  }
0xf9: {  	v21 =	vadd.s32 $0xEA60, v3;
	v17 =	vadd.f32 v17, v23;
	v18 =	vadd.f32 v18, v25;
	v9 =	vld.idx.msk [tilespmem:v9+s2+$0x0], $0xffff  }
0xfa: {  	v16 =	vmul.bf16 v16, v19;
	v19 =	vunpack.i.u.bf16.f32 v20;
	v20 =	vunpack.i.l.bf16.f32 v20;
	v10 =	vld.idx.msk [tilespmem:v10+s2+$0x0], $0xffff  }
0xfb: {  	v23 =	vadd.s32 $0xEA60, v5;
	v18 =	vadd.f32 v18, v26;
	v20 =	vadd.f32 v20, v24;
	v8 =	vld.idx.msk [tilespmem:v8+s2+$0x0], $0xffff  }
0xfc: {  	v24 =	vunpack.i.u.bf16.f32 v16;
	v16 =	vunpack.i.l.bf16.f32 v16;
	v14 =	vmul.bf16 v14, v15;
	v11 =	vld.idx.msk [tilespmem:v11+s2+$0x0], $0xffff  }
0xfd: {  	v7 =	vadd.s32 $0x11170, v7;
	v15 =	vadd.f32 v16, v17;
	v16 =	vadd.f32 v20, v19;
	v17 =	vld.idx.msk [tilespmem:v38+s2+$0x0], $0xffff  }
0xfe: {  	v19 =	vunpack.i.u.bf16.f32 v14;
	v14 =	vunpack.i.l.bf16.f32 v14;
	v12 =	vmul.bf16 v13, v12;
	v13 =	vld.idx.msk [tilespmem:v35+s2+$0x0], $0xffff  }
0xff: {  	v6 =	vadd.s32 $0x11170, v6;
	v15 =	vadd.f32 v15, v24;
	v14 =	vadd.f32 v14, v18;
	v20 =	vld.idx.msk [tilespmem:v34+s2+$0x0], $0xffff  }
0x100: {  	v9 =	vmul.bf16 v10, v9;
	v18 =	vunpack.i.u.bf16.f32 v12;
	v12 =	vunpack.i.l.bf16.f32 v12;
	v10 =	vld.idx.msk [tilespmem:v30+s2+$0x0], $0xffff  }
0x101: {  	v4 =	vadd.s32 $0x11170, v4;
	v14 =	vadd.f32 v14, v19;
	v12 =	vadd.f32 v12, v16;
	v19 =	vld.idx.msk [tilespmem:v27+s2+$0x0], $0xffff  }
0x102: {  	v16 =	vunpack.i.l.bf16.f32 v9;
	v8 =	vmul.bf16 v11, v8;
	v11 =	vld.idx.msk [tilespmem:v22+s2+$0x0], $0xffff;
	v22 =	vadd.s32 $0x11170, v2  }
0x103: {  	v3 =	vadd.s32 $0x11170, v3;
	v12 =	vadd.f32 v12, v18;
	v18 =	vld.idx.msk [tilespmem:v21+s2+$0x0], $0xffff;
	v21 =	vadd.s32 $0x11170, v5  }
0x104: {  	v2 =	vadd.f32 v16, v15;
	v5 =	vunpack.i.l.bf16.f32 v8;
	v13 =	vmul.bf16 v13, v17;
	v15 =	vld.idx.msk [tilespmem:v23+s2+$0x0], $0xffff  }
0x105: {  	v9 =	vunpack.i.u.bf16.f32 v9;
	v5 =	vadd.f32 v5, v14;
	v16 =	vld.idx.msk [tilespmem:v7+s2+$0x0], $0xffff;
	v7 =	vunpack.i.u.bf16.f32 v8  }
0x106: {  	v8 =	vmul.bf16 v10, v20;
	v10 =	vld.idx.msk [tilespmem:v6+s2+$0x0], $0xffff;
	v6 =	vunpack.i.u.bf16.f32 v13;
	v13 =	vunpack.i.l.bf16.f32 v13  }
0x107: {  	v9 =	vadd.f32 v2, v9;
	v2 =	vld.idx.msk [tilespmem:v4+s2+$0x0], $0xffff;
	v4 =	vadd.f32 v13, v12  }
.Ltmp0:
0x108: {  	v12 =	vunpack.i.l.bf16.f32 v8;
	v13 =	vadd.f32 v5, v7;
	v7 =	vmul.bf16 v11, v19;
	v5 =	vld.idx.msk [tilespmem:v22+s2+$0x0], $0xffff;
	(pc) =	sbr.rel @p0 .LBB2_3-.Ltmp0, $4  }
0x109: {  	v8 =	vunpack.i.u.bf16.f32 v8;
	v11 =	vadd.f32 v12, v9;
	v6 =	vadd.f32 v4, v6;
	v3 =	vld.idx.msk [tilespmem:v3+s2+$0x0], $0xffff  }
0x10a: {  	v9 =	vunpack.i.u.bf16.f32 v7;
	v12 =	vunpack.i.l.bf16.f32 v7;
	v14 =	vmul.bf16 v15, v18;
	v7 =	vld.idx.msk [tilespmem:v21+s2+$0x0], $0xffff  }
0x10b: {  	v4 =	vadd.f32 v11, v8;
	v11 =	vadd.f32 v12, v13  }
0x10c: {  	s22 =	sadd.s32 $0x40, s22;
	v10 =	vmul.bf16 v10, v16;
	v8 =	vunpack.i.u.bf16.f32 v14;
	v12 =	vunpack.i.l.bf16.f32 v14  }
0x10d: {  	_ = 	snop  }
0x10e: {  	v9 =	vadd.f32 v11, v9;
	v6 =	vadd.f32 v12, v6;
	v2 =	vmul.bf16 v5, v2  }
0x10f: {  	v0 =	vadd.f32 v1, v0;
	v57 =	vunpack.i.l.bf16.f32 v10;
	v3 =	vmul.bf16 v7, v3  }
0x110: {  	s18 =	sshrl.u32 s17, $0x3;
	v4 =	vadd.f32 v57, v4;
	v6 =	vadd.f32 v6, v8;
	v58 =	vunpack.i.l.bf16.f32 v2  }
0x111: {  	v56 =	vunpack.i.u.bf16.f32 v10;
	s18 =	smul.u32 $0xFC00, s18;
	v7 =	vadd.f32 v58, v9;
	v59 =	vunpack.i.l.bf16.f32 v3  }
0x112: {  	s31 =	sshll.u32 s17, $0x7;
	v60 =	vunpack.i.u.bf16.f32 v2;
	v61 =	vadd.f32 v4, v56;
	v62 =	vadd.f32 v59, v6  }
0x113: {  	s17 =	sand.u32 $0x380, s31;
	[tilespmem:s19+$0x0] =	vst v0;
	s18 =	sadd.s32 s7, s18;
	v63 =	vunpack.i.u.bf16.f32 v3;
	v1 =	vadd.f32 v7, v60  }
0x114: {  	s16 =	sadd.s32 $0x1, s16;
	s17 =	sor.u32 s17, s18;
	[tilespmem:s20+$0xFFFFFFE0] =	vst v61;
	v0 =	vadd.f32 v62, v63  }
0x115: {  	p0 =	sne.s32 s16, $0xA;
	s17 =	sshrl.u32 s17, $0x3;
	[tilespmem:s20+$0xFFFFFFF0] =	vst v1  }
.Ltmp1:
0x116: {  	s17 =	sadd.s32 s4, s17;
	[tilespmem:s20+$0x0] =	vst v0;
	(pc) =	sbr.rel @p0 .LBB2_2-.Ltmp1, $4  }
0x117: {  	[hbm4b:s17+s9] =	stream.strided.scatter [tilespmem:s14], [sflag:$0x1], $0x1F80, s10, s9, $0x38;
	[tilespmem:$0x19700] =	vst v63  }
0x118: {  	_ =	swait.ge [sflag:s11], $0x1F80  }
0x119: {  	[sflag:s11] =	ssyncset.done $0x0  }
0x11a: {  	[sflag:s11] =	ssyncadd.s32 $0xFFFFE080  }
0x11b: {  	s15 =	sadd.s32 $0x1, s15  }
0x11c: {  	p0 =	sne.s32 s15, s8  }
.Ltmp2:
0x11d: {  	_ = 	snop;
	(pc) =	sbr.rel @p0 .LBB2_1-.Ltmp2, $1  }
0x11e: {  	_ =	sdelay $0x3  }
0x11f: {  	_ =	sfence.sel $0x180000  }
0x120: {  	[bflag:$0x0] =	sbarrier.arrive $0xFFFF  }
0x121: {  	p0 =	sne.s32 s1, $0x0;
	_ =	strace $0x90000047  }
0x122: {  	s0 =	sadd.s32 @!p0 $0x100000, s0;
	[bflag:$0x2] =	sbarrier.arrive $0xFFFF  }
0x123: {  	[sflag:s0] =	ssyncadd.tile.s32 @!p0 $0x1;
	_ =	shalt  }
.Lfunc_end2:
_tile_overlayer_lowered:
.L_overlay_start_2:
0x124: {  	(tag) =	ssettag $0x2  }
0x125: {  	s0 =	rddreg [dreg:$0x0];
	s2 =	stileid.u32  }
0x126: {  	s1 =	rddreg [dreg:$0x1];
	p0 =	sne.s32 s2, $0x0  }
0x127: {  	s3 =	rddreg [dreg:$0x2];
	[bflag:$0x3] =	sbarrier.arrive $0xFFFF;
	s2 =	simm.s32 @!p0 $0x1C01  }
0x128: {  	[timem:s3], [sflag:s2] =	dma.local @!p0 [hbm:s0], s1  }
0x129: {  	s0 =	simm.s32 @!p0 $0x1  }
0x12a: {  	_ =	swait.ge @!p0 [sflag:s0], s1  }
0x12b: {  	s1 =	ssub.s32 @!p0 $0x0, s1;
	[sflag:s0] =	ssyncset.done @!p0 $0x0  }
0x12c: {  	[sflag:s0] =	ssyncadd.s32 @!p0 s1  }
0x12d: {  	[bflag:$0x3] =	sbarrier.arrive $0xFFFF  }
0x12e: {  	_ =	shalt  }

</sc_bundles>
